<compile_context>
chip_gen: v7x
topology: tpu7x:2x2x1
jax: 0.10.2.dev20260603
libtpu: 0.0.44.dev20260713+nightly
codegen_flags: <defaults>
</compile_context>

<pallas_src>
import jax
import jax.numpy as jnp
from jax import lax
from jax.experimental import pallas as pl
from jax.experimental.pallas import tpu as pltpu

_NB = 100
_RW = 104
_NR = 100
_N = _NR * _RW
_E = 128
_U = 256
_H = _RW
_GR = 50
_RN = _GR * _RW
_NRB = _NR // _GR
_NP = _N + 2 * _H

_BF = jnp.bfloat16


def _dot(a, b):
    return jnp.dot(a, b, preferred_element_type=jnp.float32)


def _rne(x):
    u = lax.bitcast_convert_type(x, jnp.uint32)
    r = (u + jnp.uint32(0x7FFF) + ((u >> 16) & jnp.uint32(1))) & jnp.uint32(0xFFFF0000)
    return lax.bitcast_convert_type(r, jnp.float32)


def _gnn_body(xsa_ref, ci_ref, in_W_ref, in_b_ref, cW1_ref, rW1_ref,
              cb1_ref, rb1_ref, W2c_ref, W2r_ref, cb2_ref,
              rb2_ref, eW1_ref, eb1_ref, eW2_ref, eb2_ref,
              ro_row_ref, robc_ref, ro2_ref, rdc_ref, out_ref, buf_ref):
    s = pl.program_id(1)
    rb = pl.program_id(2)
    base = rb * _RN
    p_in = (s + 1) % 2
    p_out = s % 2

    def write_h(h):
        buf_ref[p_out, pl.ds(base + _H, _RN), :] = h

        @pl.when(rb == 0)
        def _():
            buf_ref[p_out, pl.ds(0, _H), :] = h[0:_H]

        @pl.when(rb == _NRB - 1)
        def _():
            buf_ref[p_out, pl.ds(_N + _H, _H), :] = h[_RN - _H:_RN]

    @pl.when(s == 0)
    def _embed():
        h0 = xsa_ref[0].astype(jnp.float32)
        write_h(h0)

    @pl.when(s > 0)
    def _layer():
        S = buf_ref[p_in, pl.ds(base, _RN + 2 * _H), :]
        self_ = S[_H:_H + _RN]

        h_up = S[0:_RN]
        h_dn = S[2 * _H:2 * _H + _RN]
        ci = ci_ref[...]
        h_lf = jnp.where(ci == 0, self_, S[_H - 1:_H - 1 + _RN])
        h_rt = jnp.where(ci == _NB - 1, self_, S[_H + 1:_H + 1 + _RN])

        def msg(nbr, W1, b1, W2, b2):
            x = jnp.concatenate([self_, nbr], axis=1).astype(_BF)
            a = jnp.maximum(_dot(x, W1) + b1, 0.0).astype(_BF)
            return _dot(a, W2) + b2

        m_up = msg(h_up, cW1_ref[...], cb1_ref[...], W2c_ref[...],
                   cb2_ref[...])
        m_dn = msg(h_dn, cW1_ref[...], cb1_ref[...], W2c_ref[...],
                   cb2_ref[...])
        m_lf = msg(h_lf, rW1_ref[...], rb1_ref[...], W2r_ref[...],
                   rb2_ref[...])
        m_rt = msg(h_rt, rW1_ref[...], rb1_ref[...], W2r_ref[...],
                   rb2_ref[...])
        m_agg = ((m_up + m_dn) + m_lf) + m_rt

        xe = jnp.concatenate([self_, m_agg], axis=1).astype(_BF)
        g = jnp.maximum(_dot(xe, eW1_ref[...]) + eb1_ref[...],
                        0.0).astype(_BF)
        hn = _dot(g, eW2_ref[...]) + eb2_ref[...]
        write_h(hn)
        out_ref[0] = hn.astype(_BF)



def _pad_rows(x2d):
    b = x2d.shape[0]
    x3 = x2d.reshape(b, _NR, _NB)
    x3 = jnp.pad(x3, ((0, 0), (0, 0), (0, _RW - _NB)))
    return x3.reshape(b, _N)


def _bfr(w):
    return w.astype(_BF)


def kernel(state, actor, up, down, left, right, in_W, in_b,
           row_W1, row_b1, row_W2, row_b2,
           col_W1, col_b1, col_W2, col_b2,
           emb_W1, emb_b1, emb_W2, emb_b2,
           ro_W, ro_b, ro2_W, ro2_b):
    B = state.shape[0]

    def _bdo(x, W):
        return jnp.dot(x.astype(_BF), W.astype(_BF),
                       precision=lax.Precision.HIGHEST,
                       preferred_element_type=jnp.float32)

    sa = jnp.concatenate([state.reshape(B, -1)[..., None],
                          actor.reshape(B, -1)[..., None]], axis=-1)
    h0 = _bdo(sa, in_W) + in_b
    h0p = jnp.pad(h0.reshape(B, _NR, _NB, _E),
                  ((0, 0), (0, 0), (0, _RW - _NB), (0, 0))).reshape(
                      B, _N, _E).astype(_BF)
    crow = jnp.concatenate([jnp.arange(_NB, dtype=jnp.int32),
                            jnp.full((_RW - _NB,), 50, jnp.int32)])
    ci = jnp.tile(crow, _NR).reshape(_N, 1)

    grid = (B, 4, _NRB)

    def full(shape):
        return pl.BlockSpec(shape, lambda b, s, r: (0,) * len(shape))

    out = pl.pallas_call(
        _gnn_body,
        grid=grid,
        in_specs=[
            pl.BlockSpec((1, _RN, _E), lambda b, s, r: (b, r, 0)),
            pl.BlockSpec((_RN, 1), lambda b, s, r: (r, 0)),
            full((2, _E)),
            full((1, _E)),
            full((2 * _E, _U)),
            full((2 * _E, _U)),
            full((1, _U)),
            full((1, _U)),
            full((_U, _E)),
            full((_U, _E)),
            full((1, _E)),
            full((1, _E)),
            full((2 * _E, _U)),
            full((1, _U)),
            full((_U, _E)),
            full((1, _E)),
            full((1, _E)),
            full((1, 1)),
            pl.BlockSpec((_RN, 1), lambda b, s, r: (r, 0)),
            full((1, 1)),
        ],
        out_specs=pl.BlockSpec((1, _RN, _E), lambda b, s, r: (b, r, 0)),
        out_shape=jax.ShapeDtypeStruct((B, _N, _E), _BF),
        scratch_shapes=[pltpu.VMEM((2, _NP, _E), jnp.float32)],
        compiler_params=pltpu.CompilerParams(
            dimension_semantics=("arbitrary", "arbitrary", "arbitrary")),
    )(h0p, ci,
      _bfr(in_W).astype(jnp.float32),
      in_b.reshape(1, _E),
      _bfr(col_W1), _bfr(row_W1),
      col_b1.reshape(1, _U), row_b1.reshape(1, _U),
      _bfr(col_W2), _bfr(row_W2),
      col_b2.reshape(1, _E), row_b2.reshape(1, _E),
      _bfr(emb_W1),
      emb_b1.reshape(1, _U),
      _bfr(emb_W2), emb_b2.reshape(1, _E),
      _bfr(ro_W).astype(jnp.float32).reshape(1, _E),
      ro_b.reshape(1, 1),
      _bfr(_pad_rows(ro2_W.reshape(1, -1))).astype(jnp.float32).reshape(_N, 1),
      ro2_b.reshape(1, 1))
    h3 = out.reshape(B, _NR, _RW, _E)[:, :, :_NB, :].reshape(
        B, _NR * _NB, _E)
    q = jnp.squeeze(_bdo(h3, ro_W) + ro_b, axis=-1)
    q = _bdo(q, ro2_W) + ro2_b
    return q

# --- scband reference (transcript-rebuilt; emitter-appended) ---
"""Pipeline reference for scband-critic-gnn-53961969107414 (READ-ONLY COPY).

The authoritative reference and input builder live on the scoring server;
editing this copy changes nothing except your own understanding.
"""

import jax, jax.numpy as jnp
import numpy as np

M_B, N_B = 100, 100
EMB, MSG, UNITS = 128, 128, 256
GNN_LAYERS = 3
BATCH = 16


def find_neighbors(m_b, n_b):
    pos = np.arange(m_b * n_b)
    r = pos // n_b
    c = pos % n_b
    up = np.where(r > 0, pos - n_b, pos)
    down = np.where(r < m_b - 1, pos + n_b, pos)
    left = np.where(c > 0, pos - 1, pos)
    right = np.where(c < n_b - 1, pos + 1, pos)
    return up, down, left, right


def _dense_params(key, fan_in, fan_out):
    lim = float(np.sqrt(6.0 / (fan_in + fan_out)))
    W = jax.random.uniform(key, (fan_in, fan_out), jnp.float32, -lim, lim)
    b = jnp.zeros((fan_out,), jnp.float32)
    return W, b


def setup_inputs(seed: int = 0) -> dict:
    key = jax.random.key(seed)
    ks = jax.random.split(key, 12)
    state = jax.random.normal(ks[0], (BATCH, M_B, N_B), jnp.float32)
    actor = jax.random.normal(ks[1], (BATCH, M_B, N_B), jnp.float32)
    up, down, left, right = find_neighbors(M_B, N_B)
    in_W, in_b = _dense_params(ks[2], 2, EMB)
    row_W1, row_b1 = _dense_params(ks[3], 2 * EMB, UNITS)
    row_W2, row_b2 = _dense_params(ks[4], UNITS, MSG)
    col_W1, col_b1 = _dense_params(ks[5], 2 * EMB, UNITS)
    col_W2, col_b2 = _dense_params(ks[6], UNITS, MSG)
    emb_W1, emb_b1 = _dense_params(ks[7], EMB + MSG, UNITS)
    emb_W2, emb_b2 = _dense_params(ks[8], UNITS, EMB)
    ro_W, ro_b = _dense_params(ks[9], EMB, 1)
    ro2_W, ro2_b = _dense_params(ks[10], M_B * N_B, 1)
    return {
        'state': state, 'actor': actor,
        'up': jnp.asarray(up, jnp.int32), 'down': jnp.asarray(down, jnp.int32),
        'left': jnp.asarray(left, jnp.int32), 'right': jnp.asarray(right, jnp.int32),
        'in_W': in_W, 'in_b': in_b,
        'row_W1': row_W1, 'row_b1': row_b1, 'row_W2': row_W2, 'row_b2': row_b2,
        'col_W1': col_W1, 'col_b1': col_b1, 'col_W2': col_W2, 'col_b2': col_b2,
        'emb_W1': emb_W1, 'emb_b1': emb_b1, 'emb_W2': emb_W2, 'emb_b2': emb_b2,
        'ro_W': ro_W, 'ro_b': ro_b, 'ro2_W': ro2_W, 'ro2_b': ro2_b,
    }


def _mlp(x, W1, b1, W2, b2):
    h = jnp.maximum(jnp.dot(x, W1) + b1, 0.0)
    return jnp.dot(h, W2) + b2


def reference(state, actor, up, down, left, right, in_W, in_b,
              row_W1, row_b1, row_W2, row_b2,
              col_W1, col_b1, col_W2, col_b2,
              emb_W1, emb_b1, emb_W2, emb_b2,
              ro_W, ro_b, ro2_W, ro2_b):
    B = state.shape[0]
    s = state.reshape(B, -1)[..., None]
    a = actor.reshape(B, -1)[..., None]
    h = jnp.dot(jnp.concatenate([s, a], axis=-1), in_W) + in_b
    for _ in range(GNN_LAYERS):
        h_up = jnp.take(h, up, axis=1)
        h_down = jnp.take(h, down, axis=1)
        h_left = jnp.take(h, left, axis=1)
        h_right = jnp.take(h, right, axis=1)
        m_up = _mlp(jnp.concatenate([h, h_up], axis=-1), col_W1, col_b1, col_W2, col_b2)
        m_down = _mlp(jnp.concatenate([h, h_down], axis=-1), col_W1, col_b1, col_W2, col_b2)
        m_left = _mlp(jnp.concatenate([h, h_left], axis=-1), row_W1, row_b1, row_W2, row_b2)
        m_right = _mlp(jnp.concatenate([h, h_right], axis=-1), row_W1, row_b1, row_W2, row_b2)
        m_agg = m_up + m_down + m_left + m_right
        h = _mlp(jnp.concatenate([h, m_agg], axis=-1), emb_W1, emb_b1, emb_W2, emb_b2)
    q = jnp.squeeze(jnp.dot(h, ro_W) + ro_b, axis=-1)
    q = jnp.dot(q, ro2_W) + ro2_b
    return q

if __name__ == "__main__":
    import jax
    _d = setup_inputs()
    print(jax.jit(kernel)(*tuple(_d.values())))

</pallas_src>

<mosaic_0001>
module attributes {stable_mosaic.version = 14 : i64} {
  func.func @_gnn_body(%arg0: i32, %arg1: i32, %arg2: i32, %arg3: memref<1x5200x128xbf16, #tpu.memory_space<vmem>>, %arg4: memref<5200x1xi32, #tpu.memory_space<vmem>>, %arg5: memref<2x128xf32, #tpu.memory_space<vmem>>, %arg6: memref<1x128xf32, #tpu.memory_space<vmem>>, %arg7: memref<256x256xbf16, #tpu.memory_space<vmem>>, %arg8: memref<256x256xbf16, #tpu.memory_space<vmem>>, %arg9: memref<1x256xf32, #tpu.memory_space<vmem>>, %arg10: memref<1x256xf32, #tpu.memory_space<vmem>>, %arg11: memref<256x128xbf16, #tpu.memory_space<vmem>>, %arg12: memref<256x128xbf16, #tpu.memory_space<vmem>>, %arg13: memref<1x128xf32, #tpu.memory_space<vmem>>, %arg14: memref<1x128xf32, #tpu.memory_space<vmem>>, %arg15: memref<256x256xbf16, #tpu.memory_space<vmem>>, %arg16: memref<1x256xf32, #tpu.memory_space<vmem>>, %arg17: memref<256x128xbf16, #tpu.memory_space<vmem>>, %arg18: memref<1x128xf32, #tpu.memory_space<vmem>>, %arg19: memref<1x128xf32, #tpu.memory_space<vmem>>, %arg20: memref<1x1xf32, #tpu.memory_space<vmem>>, %arg21: memref<5200x1xf32, #tpu.memory_space<vmem>>, %arg22: memref<1x1xf32, #tpu.memory_space<vmem>>, %arg23: memref<1x5200x128xbf16, #tpu.memory_space<vmem>>, %arg24: memref<2x10608x128xf32, #tpu.memory_space<vmem>>) attributes {dimension_semantics = [#tpu.dimension_semantics<arbitrary>, #tpu.dimension_semantics<arbitrary>, #tpu.dimension_semantics<arbitrary>], iteration_bounds = array<i64: 16, 4, 2>, scalar_prefetch = 0 : i64, scratch_operands = 1 : i64, tpu.core_type = #tpu.core_type<tc>, window_params = [{transform_indices = @transform_0, window_bounds = array<i64: 1, 5200, 128>}, {transform_indices = @transform_1, window_bounds = array<i64: 5200, 1>}, {pipeline_mode = #tpu.pipeline_mode<synchronous>, transform_indices = @transform_2, window_bounds = array<i64: 2, 128>}, {pipeline_mode = #tpu.pipeline_mode<synchronous>, transform_indices = @transform_3, window_bounds = array<i64: 1, 128>}, {pipeline_mode = #tpu.pipeline_mode<synchronous>, transform_indices = @transform_4, window_bounds = array<i64: 256, 256>}, {pipeline_mode = #tpu.pipeline_mode<synchronous>, transform_indices = @transform_5, window_bounds = array<i64: 256, 256>}, {pipeline_mode = #tpu.pipeline_mode<synchronous>, transform_indices = @transform_6, window_bounds = array<i64: 1, 256>}, {pipeline_mode = #tpu.pipeline_mode<synchronous>, transform_indices = @transform_7, window_bounds = array<i64: 1, 256>}, {pipeline_mode = #tpu.pipeline_mode<synchronous>, transform_indices = @transform_8, window_bounds = array<i64: 256, 128>}, {pipeline_mode = #tpu.pipeline_mode<synchronous>, transform_indices = @transform_9, window_bounds = array<i64: 256, 128>}, {pipeline_mode = #tpu.pipeline_mode<synchronous>, transform_indices = @transform_10, window_bounds = array<i64: 1, 128>}, {pipeline_mode = #tpu.pipeline_mode<synchronous>, transform_indices = @transform_11, window_bounds = array<i64: 1, 128>}, {pipeline_mode = #tpu.pipeline_mode<synchronous>, transform_indices = @transform_12, window_bounds = array<i64: 256, 256>}, {pipeline_mode = #tpu.pipeline_mode<synchronous>, transform_indices = @transform_13, window_bounds = array<i64: 1, 256>}, {pipeline_mode = #tpu.pipeline_mode<synchronous>, transform_indices = @transform_14, window_bounds = array<i64: 256, 128>}, {pipeline_mode = #tpu.pipeline_mode<synchronous>, transform_indices = @transform_15, window_bounds = array<i64: 1, 128>}, {pipeline_mode = #tpu.pipeline_mode<synchronous>, transform_indices = @transform_16, window_bounds = array<i64: 1, 128>}, {pipeline_mode = #tpu.pipeline_mode<synchronous>, transform_indices = @transform_17, window_bounds = array<i64: 1, 1>}, {transform_indices = @transform_18, window_bounds = array<i64: 5200, 1>}, {pipeline_mode = #tpu.pipeline_mode<synchronous>, transform_indices = @transform_19, window_bounds = array<i64: 1, 1>}, {transform_indices = @transform_20, window_bounds = array<i64: 1, 5200, 128>}]} {
    %mul3A = arith.constant 5200 : i32
    %mul3A_0 = arith.muli %arg2, %mul3A : i32
    %add3A = arith.constant 1 : i32
    %add3A_1 = arith.addi %arg1, %add3A : i32
    %jit3A = arith.constant 2 : i32
    %eq3A = arith.constant 0 : i32
    %eq3A_2 = arith.cmpi eq, %jit3A, %eq3A : i32
    %jit3A_3 = arith.constant 1 : i32
    %select_n3A = arith.select %eq3A_2, %jit3A_3, %jit3A : i32
    %rem3A = arith.remsi %add3A_1, %select_n3A : i32
    %ne3A = arith.constant 0 : i32
    %ne3A_4 = arith.cmpi ne, %rem3A, %ne3A : i32
    %lt3A = arith.constant 0 : i32
    %lt3A_5 = arith.cmpi slt, %rem3A, %lt3A : i32
    %lt3A_6 = arith.constant 0 : i32
    %lt3A_7 = arith.cmpi slt, %select_n3A, %lt3A_6 : i32
    %ne3A_8 = arith.xori %lt3A_5, %lt3A_7 : i1
    %and3A = arith.andi %ne3A_8, %ne3A_4 : i1
    %add3A_9 = arith.addi %rem3A, %select_n3A : i32
    %select_n3A_10 = arith.select %and3A, %add3A_9, %rem3A : i32
    %jit3A_11 = arith.constant 2 : i32
    %eq3A_12 = arith.constant 0 : i32
    %eq3A_13 = arith.cmpi eq, %jit3A_11, %eq3A_12 : i32
    %jit3A_14 = arith.constant 1 : i32
    %select_n3A_15 = arith.select %eq3A_13, %jit3A_14, %jit3A_11 : i32
    %rem3A_16 = arith.remsi %arg1, %select_n3A_15 : i32
    %ne3A_17 = arith.constant 0 : i32
    %ne3A_18 = arith.cmpi ne, %rem3A_16, %ne3A_17 : i32
    %lt3A_19 = arith.constant 0 : i32
    %lt3A_20 = arith.cmpi slt, %rem3A_16, %lt3A_19 : i32
    %lt3A_21 = arith.constant 0 : i32
    %lt3A_22 = arith.cmpi slt, %select_n3A_15, %lt3A_21 : i32
    %ne3A_23 = arith.xori %lt3A_20, %lt3A_22 : i1
    %and3A_24 = arith.andi %ne3A_23, %ne3A_18 : i1
    %add3A_25 = arith.addi %rem3A_16, %select_n3A_15 : i32
    %select_n3A_26 = arith.select %and3A_24, %add3A_25, %rem3A_16 : i32
    %eq3A_27 = arith.constant 0 : i32
    %eq3A_28 = arith.cmpi eq, %arg1, %eq3A_27 : i32
    %convert_element_type3A = arith.extui %eq3A_28 : i1 to i32
    %cond3A = arith.constant 0 : i32
    %cond3A_29 = arith.cmpi ne, %convert_element_type3A, %cond3A : i32
    scf.if %cond3A_29 {
      %get3A = arith.constant 0 : index
      %get3A_34 = arith.constant 0 : index
      %get3A_35 = arith.constant 0 : index
      %get3A_36 = vector.load %arg3[%get3A, %get3A_34, %get3A_35] : memref<1x5200x128xbf16, #tpu.memory_space<vmem>>, vector<1x5200x128xbf16>
      %get3A_37 = vector.shape_cast %get3A_36 : vector<1x5200x128xbf16> to vector<5200x128xbf16>
      %convert_element_type3A_38 = arith.extf %get3A_37 : vector<5200x128xbf16> to vector<5200x128xf32>
      %add3A_39 = arith.constant 104 : i32
      %add3A_40 = arith.addi %mul3A_0, %add3A_39 : i32
      %swap3A = arith.index_cast %select_n3A_26 : i32 to index
      %swap3A_41 = arith.index_cast %add3A_40 : i32 to index
      %swap3A_42 = arith.constant 0 : index
      %swap3A_43 = vector.load %arg24[%swap3A, %swap3A_41, %swap3A_42] : memref<2x10608x128xf32, #tpu.memory_space<vmem>>, vector<1x5200x128xf32>
      %swap3A_44 = vector.shape_cast %swap3A_43 : vector<1x5200x128xf32> to vector<5200x128xf32>
      %swap3A_45 = vector.shape_cast %convert_element_type3A_38 : vector<5200x128xf32> to vector<1x5200x128xf32>
      tpu.vector_store %arg24[%swap3A, %swap3A_41, %swap3A_42], %swap3A_45 {strides = array<i32>} : memref<2x10608x128xf32, #tpu.memory_space<vmem>>, vector<1x5200x128xf32>,
      %eq3A_46 = arith.constant 0 : i32
      %eq3A_47 = arith.cmpi eq, %arg2, %eq3A_46 : i32
      %convert_element_type3A_48 = arith.extui %eq3A_47 : i1 to i32
      %cond3A_49 = arith.constant 0 : i32
      %cond3A_50 = arith.cmpi ne, %convert_element_type3A_48, %cond3A_49 : i32
      scf.if %cond3A_50 {
        %slice3A = vector.extract_strided_slice %convert_element_type3A_38 {offsets = [0, 0], sizes = [104, 128], strides = [1, 1]} : vector<5200x128xf32> to vector<104x128xf32>
        %swap3A_56 = arith.index_cast %select_n3A_26 : i32 to index
        %swap3A_57 = arith.constant 0 : index
        %swap3A_58 = arith.constant 0 : index
        %swap3A_59 = vector.load %arg24[%swap3A_56, %swap3A_57, %swap3A_58] : memref<2x10608x128xf32, #tpu.memory_space<vmem>>, vector<1x104x128xf32>
        %swap3A_60 = vector.shape_cast %swap3A_59 : vector<1x104x128xf32> to vector<104x128xf32>
        %swap3A_61 = vector.shape_cast %slice3A : vector<104x128xf32> to vector<1x104x128xf32>
        tpu.vector_store %arg24[%swap3A_56, %swap3A_57, %swap3A_58], %swap3A_61 {strides = array<i32>} : memref<2x10608x128xf32, #tpu.memory_space<vmem>>, vector<1x104x128xf32>,
      } else {
      }
      %eq3A_51 = arith.constant 1 : i32
      %eq3A_52 = arith.cmpi eq, %arg2, %eq3A_51 : i32
      %convert_element_type3A_53 = arith.extui %eq3A_52 : i1 to i32
      %cond3A_54 = arith.constant 0 : i32
      %cond3A_55 = arith.cmpi ne, %convert_element_type3A_53, %cond3A_54 : i32
      scf.if %cond3A_55 {
        %slice3A = vector.extract_strided_slice %convert_element_type3A_38 {offsets = [5096, 0], sizes = [104, 128], strides = [1, 1]} : vector<5200x128xf32> to vector<104x128xf32>
        %swap3A_56 = arith.index_cast %select_n3A_26 : i32 to index
        %swap3A_57 = arith.constant 10504 : index
        %swap3A_58 = arith.constant 0 : index
        %swap3A_59 = vector.load %arg24[%swap3A_56, %swap3A_57, %swap3A_58] : memref<2x10608x128xf32, #tpu.memory_space<vmem>>, vector<1x104x128xf32>
        %swap3A_60 = vector.shape_cast %swap3A_59 : vector<1x104x128xf32> to vector<104x128xf32>
        %swap3A_61 = vector.shape_cast %slice3A : vector<104x128xf32> to vector<1x104x128xf32>
        tpu.vector_store %arg24[%swap3A_56, %swap3A_57, %swap3A_58], %swap3A_61 {strides = array<i32>} : memref<2x10608x128xf32, #tpu.memory_space<vmem>>, vector<1x104x128xf32>,
      } else {
      }
    } else {
    }
    %gt3A = arith.constant 0 : i32
    %gt3A_30 = arith.cmpi sgt, %arg1, %gt3A : i32
    %convert_element_type3A_31 = arith.extui %gt3A_30 : i1 to i32
    %cond3A_32 = arith.constant 0 : i32
    %cond3A_33 = arith.cmpi ne, %convert_element_type3A_31, %cond3A_32 : i32
    scf.if %cond3A_33 {
      %get3A = arith.index_cast %select_n3A_10 : i32 to index
      %get3A_34 = arith.index_cast %mul3A_0 : i32 to index
      %get3A_35 = arith.constant 0 : index
      %get3A_36 = vector.load %arg24[%get3A, %get3A_34, %get3A_35] : memref<2x10608x128xf32, #tpu.memory_space<vmem>>, vector<1x5408x128xf32>
      %get3A_37 = vector.shape_cast %get3A_36 : vector<1x5408x128xf32> to vector<5408x128xf32>
      %slice3A = vector.extract_strided_slice %get3A_37 {offsets = [104, 0], sizes = [5200, 128], strides = [1, 1]} : vector<5408x128xf32> to vector<5200x128xf32>
      %slice3A_38 = vector.extract_strided_slice %get3A_37 {offsets = [0, 0], sizes = [5200, 128], strides = [1, 1]} : vector<5408x128xf32> to vector<5200x128xf32>
      %slice3A_39 = vector.extract_strided_slice %get3A_37 {offsets = [208, 0], sizes = [5200, 128], strides = [1, 1]} : vector<5408x128xf32> to vector<5200x128xf32>
      %get3A_40 = arith.constant 0 : index
      %get3A_41 = arith.constant 0 : index
      %get3A_42 = vector.load %arg4[%get3A_40, %get3A_41] : memref<5200x1xi32, #tpu.memory_space<vmem>>, vector<5200x1xi32>
      %eq3A_43 = arith.constant 0 : i32
      %eq3A_44 = vector.broadcast %eq3A_43 : i32 to vector<5200x1xi32>
      %eq3A_45 = arith.cmpi eq, %get3A_42, %eq3A_44 : vector<5200x1xi32>
      %slice3A_46 = vector.extract_strided_slice %get3A_37 {offsets = [103, 0], sizes = [5200, 128], strides = [1, 1]} : vector<5408x128xf32> to vector<5200x128xf32>
      %broadcast_in_dim3A = vector.shape_cast %eq3A_45 : vector<5200x1xi1> to vector<5200x1xi1>
      %broadcast_in_dim3A_47 = vector.broadcast %broadcast_in_dim3A : vector<5200x1xi1> to vector<5200x128xi1>
      %select_n3A_48 = arith.select %broadcast_in_dim3A_47, %slice3A, %slice3A_46 : vector<5200x128xi1>, vector<5200x128xf32>
      %eq3A_49 = arith.constant 99 : i32
      %eq3A_50 = vector.broadcast %eq3A_49 : i32 to vector<5200x1xi32>
      %eq3A_51 = arith.cmpi eq, %get3A_42, %eq3A_50 : vector<5200x1xi32>
      %slice3A_52 = vector.extract_strided_slice %get3A_37 {offsets = [105, 0], sizes = [5200, 128], strides = [1, 1]} : vector<5408x128xf32> to vector<5200x128xf32>
      %broadcast_in_dim3A_53 = vector.shape_cast %eq3A_51 : vector<5200x1xi1> to vector<5200x1xi1>
      %broadcast_in_dim3A_54 = vector.broadcast %broadcast_in_dim3A_53 : vector<5200x1xi1> to vector<5200x128xi1>
      %select_n3A_55 = arith.select %broadcast_in_dim3A_54, %slice3A, %slice3A_52 : vector<5200x128xi1>, vector<5200x128xf32>
      %get3A_56 = arith.constant 0 : index
      %get3A_57 = arith.constant 0 : index
      %get3A_58 = vector.load %arg7[%get3A_56, %get3A_57] : memref<256x256xbf16, #tpu.memory_space<vmem>>, vector<256x256xbf16>
      %get3A_59 = arith.constant 0 : index
      %get3A_60 = arith.constant 0 : index
      %get3A_61 = vector.load %arg9[%get3A_59, %get3A_60] : memref<1x256xf32, #tpu.memory_space<vmem>>, vector<1x256xf32>
      %get3A_62 = arith.constant 0 : index
      %get3A_63 = arith.constant 0 : index
      %get3A_64 = vector.load %arg11[%get3A_62, %get3A_63] : memref<256x128xbf16, #tpu.memory_space<vmem>>, vector<256x128xbf16>
      %get3A_65 = arith.constant 0 : index
      %get3A_66 = arith.constant 0 : index
      %get3A_67 = vector.load %arg13[%get3A_65, %get3A_66] : memref<1x128xf32, #tpu.memory_space<vmem>>, vector<1x128xf32>
      %concatenate3A = tpu.concatenate %slice3A, %slice3A_38 in 1 : vector<5200x128xf32>, vector<5200x128xf32> -> vector<5200x256xf32>
      %convert_element_type3A_68 = arith.truncf %concatenate3A : vector<5200x256xf32> to vector<5200x256xbf16>
      %dot_general3A = arith.constant dense<0.000000e+00> : vector<5200x256xf32>
      %dot_general3A_69 = tpu.matmul %convert_element_type3A_68, %get3A_58, %dot_general3A {dimension_numbers = #tpu.dot_dimension_numbers<[1], [0], [0], [1], [0, 0, 1, 1], [], []>, transpose_lhs_hint = false} : vector<5200x256xbf16>, vector<256x256xbf16>, vector<5200x256xf32> -> vector<5200x256xf32>
      %add3A_70 = vector.broadcast %get3A_61 : vector<1x256xf32> to vector<5200x256xf32>
      %add3A_71 = arith.addf %dot_general3A_69, %add3A_70 : vector<5200x256xf32>
      %max3A = arith.constant 0.000000e+00 : f32
      %max3A_72 = vector.broadcast %max3A : f32 to vector<5200x256xf32>
      %max3A_73 = arith.maximumf %add3A_71, %max3A_72 : vector<5200x256xf32>
      %convert_element_type3A_74 = arith.truncf %max3A_73 : vector<5200x256xf32> to vector<5200x256xbf16>
      %dot_general3A_75 = arith.constant dense<0.000000e+00> : vector<5200x128xf32>
      %dot_general3A_76 = tpu.matmul %convert_element_type3A_74, %get3A_64, %dot_general3A_75 {dimension_numbers = #tpu.dot_dimension_numbers<[1], [0], [0], [1], [0, 0, 1, 1], [], []>, transpose_lhs_hint = false} : vector<5200x256xbf16>, vector<256x128xbf16>, vector<5200x128xf32> -> vector<5200x128xf32>
      %add3A_77 = vector.broadcast %get3A_67 : vector<1x128xf32> to vector<5200x128xf32>
      %add3A_78 = arith.addf %dot_general3A_76, %add3A_77 : vector<5200x128xf32>
      %get3A_79 = arith.constant 0 : index
      %get3A_80 = arith.constant 0 : index
      %get3A_81 = vector.load %arg7[%get3A_79, %get3A_80] : memref<256x256xbf16, #tpu.memory_space<vmem>>, vector<256x256xbf16>
      %get3A_82 = arith.constant 0 : index
      %get3A_83 = arith.constant 0 : index
      %get3A_84 = vector.load %arg9[%get3A_82, %get3A_83] : memref<1x256xf32, #tpu.memory_space<vmem>>, vector<1x256xf32>
      %get3A_85 = arith.constant 0 : index
      %get3A_86 = arith.constant 0 : index
      %get3A_87 = vector.load %arg11[%get3A_85, %get3A_86] : memref<256x128xbf16, #tpu.memory_space<vmem>>, vector<256x128xbf16>
      %get3A_88 = arith.constant 0 : index
      %get3A_89 = arith.constant 0 : index
      %get3A_90 = vector.load %arg13[%get3A_88, %get3A_89] : memref<1x128xf32, #tpu.memory_space<vmem>>, vector<1x128xf32>
      %concatenate3A_91 = tpu.concatenate %slice3A, %slice3A_39 in 1 : vector<5200x128xf32>, vector<5200x128xf32> -> vector<5200x256xf32>
      %convert_element_type3A_92 = arith.truncf %concatenate3A_91 : vector<5200x256xf32> to vector<5200x256xbf16>
      %dot_general3A_93 = arith.constant dense<0.000000e+00> : vector<5200x256xf32>
      %dot_general3A_94 = tpu.matmul %convert_element_type3A_92, %get3A_81, %dot_general3A_93 {dimension_numbers = #tpu.dot_dimension_numbers<[1], [0], [0], [1], [0, 0, 1, 1], [], []>, transpose_lhs_hint = false} : vector<5200x256xbf16>, vector<256x256xbf16>, vector<5200x256xf32> -> vector<5200x256xf32>
      %add3A_95 = vector.broadcast %get3A_84 : vector<1x256xf32> to vector<5200x256xf32>
      %add3A_96 = arith.addf %dot_general3A_94, %add3A_95 : vector<5200x256xf32>
      %max3A_97 = arith.constant 0.000000e+00 : f32
      %max3A_98 = vector.broadcast %max3A_97 : f32 to vector<5200x256xf32>
      %max3A_99 = arith.maximumf %add3A_96, %max3A_98 : vector<5200x256xf32>
      %convert_element_type3A_100 = arith.truncf %max3A_99 : vector<5200x256xf32> to vector<5200x256xbf16>
      %dot_general3A_101 = arith.constant dense<0.000000e+00> : vector<5200x128xf32>
      %dot_general3A_102 = tpu.matmul %convert_element_type3A_100, %get3A_87, %dot_general3A_101 {dimension_numbers = #tpu.dot_dimension_numbers<[1], [0], [0], [1], [0, 0, 1, 1], [], []>, transpose_lhs_hint = false} : vector<5200x256xbf16>, vector<256x128xbf16>, vector<5200x128xf32> -> vector<5200x128xf32>
      %add3A_103 = vector.broadcast %get3A_90 : vector<1x128xf32> to vector<5200x128xf32>
      %add3A_104 = arith.addf %dot_general3A_102, %add3A_103 : vector<5200x128xf32>
      %get3A_105 = arith.constant 0 : index
      %get3A_106 = arith.constant 0 : index
      %get3A_107 = vector.load %arg8[%get3A_105, %get3A_106] : memref<256x256xbf16, #tpu.memory_space<vmem>>, vector<256x256xbf16>
      %get3A_108 = arith.constant 0 : index
      %get3A_109 = arith.constant 0 : index
      %get3A_110 = vector.load %arg10[%get3A_108, %get3A_109] : memref<1x256xf32, #tpu.memory_space<vmem>>, vector<1x256xf32>
      %get3A_111 = arith.constant 0 : index
      %get3A_112 = arith.constant 0 : index
      %get3A_113 = vector.load %arg12[%get3A_111, %get3A_112] : memref<256x128xbf16, #tpu.memory_space<vmem>>, vector<256x128xbf16>
      %get3A_114 = arith.constant 0 : index
      %get3A_115 = arith.constant 0 : index
      %get3A_116 = vector.load %arg14[%get3A_114, %get3A_115] : memref<1x128xf32, #tpu.memory_space<vmem>>, vector<1x128xf32>
      %concatenate3A_117 = tpu.concatenate %slice3A, %select_n3A_48 in 1 : vector<5200x128xf32>, vector<5200x128xf32> -> vector<5200x256xf32>
      %convert_element_type3A_118 = arith.truncf %concatenate3A_117 : vector<5200x256xf32> to vector<5200x256xbf16>
      %dot_general3A_119 = arith.constant dense<0.000000e+00> : vector<5200x256xf32>
      %dot_general3A_120 = tpu.matmul %convert_element_type3A_118, %get3A_107, %dot_general3A_119 {dimension_numbers = #tpu.dot_dimension_numbers<[1], [0], [0], [1], [0, 0, 1, 1], [], []>, transpose_lhs_hint = false} : vector<5200x256xbf16>, vector<256x256xbf16>, vector<5200x256xf32> -> vector<5200x256xf32>
      %add3A_121 = vector.broadcast %get3A_110 : vector<1x256xf32> to vector<5200x256xf32>
      %add3A_122 = arith.addf %dot_general3A_120, %add3A_121 : vector<5200x256xf32>
      %max3A_123 = arith.constant 0.000000e+00 : f32
      %max3A_124 = vector.broadcast %max3A_123 : f32 to vector<5200x256xf32>
      %max3A_125 = arith.maximumf %add3A_122, %max3A_124 : vector<5200x256xf32>
      %convert_element_type3A_126 = arith.truncf %max3A_125 : vector<5200x256xf32> to vector<5200x256xbf16>
      %dot_general3A_127 = arith.constant dense<0.000000e+00> : vector<5200x128xf32>
      %dot_general3A_128 = tpu.matmul %convert_element_type3A_126, %get3A_113, %dot_general3A_127 {dimension_numbers = #tpu.dot_dimension_numbers<[1], [0], [0], [1], [0, 0, 1, 1], [], []>, transpose_lhs_hint = false} : vector<5200x256xbf16>, vector<256x128xbf16>, vector<5200x128xf32> -> vector<5200x128xf32>
      %add3A_129 = vector.broadcast %get3A_116 : vector<1x128xf32> to vector<5200x128xf32>
      %add3A_130 = arith.addf %dot_general3A_128, %add3A_129 : vector<5200x128xf32>
      %get3A_131 = arith.constant 0 : index
      %get3A_132 = arith.constant 0 : index
      %get3A_133 = vector.load %arg8[%get3A_131, %get3A_132] : memref<256x256xbf16, #tpu.memory_space<vmem>>, vector<256x256xbf16>
      %get3A_134 = arith.constant 0 : index
      %get3A_135 = arith.constant 0 : index
      %get3A_136 = vector.load %arg10[%get3A_134, %get3A_135] : memref<1x256xf32, #tpu.memory_space<vmem>>, vector<1x256xf32>
      %get3A_137 = arith.constant 0 : index
      %get3A_138 = arith.constant 0 : index
      %get3A_139 = vector.load %arg12[%get3A_137, %get3A_138] : memref<256x128xbf16, #tpu.memory_space<vmem>>, vector<256x128xbf16>
      %get3A_140 = arith.constant 0 : index
      %get3A_141 = arith.constant 0 : index
      %get3A_142 = vector.load %arg14[%get3A_140, %get3A_141] : memref<1x128xf32, #tpu.memory_space<vmem>>, vector<1x128xf32>
      %concatenate3A_143 = tpu.concatenate %slice3A, %select_n3A_55 in 1 : vector<5200x128xf32>, vector<5200x128xf32> -> vector<5200x256xf32>
      %convert_element_type3A_144 = arith.truncf %concatenate3A_143 : vector<5200x256xf32> to vector<5200x256xbf16>
      %dot_general3A_145 = arith.constant dense<0.000000e+00> : vector<5200x256xf32>
      %dot_general3A_146 = tpu.matmul %convert_element_type3A_144, %get3A_133, %dot_general3A_145 {dimension_numbers = #tpu.dot_dimension_numbers<[1], [0], [0], [1], [0, 0, 1, 1], [], []>, transpose_lhs_hint = false} : vector<5200x256xbf16>, vector<256x256xbf16>, vector<5200x256xf32> -> vector<5200x256xf32>
      %add3A_147 = vector.broadcast %get3A_136 : vector<1x256xf32> to vector<5200x256xf32>
      %add3A_148 = arith.addf %dot_general3A_146, %add3A_147 : vector<5200x256xf32>
      %max3A_149 = arith.constant 0.000000e+00 : f32
      %max3A_150 = vector.broadcast %max3A_149 : f32 to vector<5200x256xf32>
      %max3A_151 = arith.maximumf %add3A_148, %max3A_150 : vector<5200x256xf32>
      %convert_element_type3A_152 = arith.truncf %max3A_151 : vector<5200x256xf32> to vector<5200x256xbf16>
      %dot_general3A_153 = arith.constant dense<0.000000e+00> : vector<5200x128xf32>
      %dot_general3A_154 = tpu.matmul %convert_element_type3A_152, %get3A_139, %dot_general3A_153 {dimension_numbers = #tpu.dot_dimension_numbers<[1], [0], [0], [1], [0, 0, 1, 1], [], []>, transpose_lhs_hint = false} : vector<5200x256xbf16>, vector<256x128xbf16>, vector<5200x128xf32> -> vector<5200x128xf32>
      %add3A_155 = vector.broadcast %get3A_142 : vector<1x128xf32> to vector<5200x128xf32>
      %add3A_156 = arith.addf %dot_general3A_154, %add3A_155 : vector<5200x128xf32>
      %add3A_157 = arith.addf %add3A_78, %add3A_104 : vector<5200x128xf32>
      %add3A_158 = arith.addf %add3A_157, %add3A_130 : vector<5200x128xf32>
      %add3A_159 = arith.addf %add3A_158, %add3A_156 : vector<5200x128xf32>
      %concatenate3A_160 = tpu.concatenate %slice3A, %add3A_159 in 1 : vector<5200x128xf32>, vector<5200x128xf32> -> vector<5200x256xf32>
      %convert_element_type3A_161 = arith.truncf %concatenate3A_160 : vector<5200x256xf32> to vector<5200x256xbf16>
      %get3A_162 = arith.constant 0 : index
      %get3A_163 = arith.constant 0 : index
      %get3A_164 = vector.load %arg15[%get3A_162, %get3A_163] : memref<256x256xbf16, #tpu.memory_space<vmem>>, vector<256x256xbf16>
      %dot_general3A_165 = arith.constant dense<0.000000e+00> : vector<5200x256xf32>
      %dot_general3A_166 = tpu.matmul %convert_element_type3A_161, %get3A_164, %dot_general3A_165 {dimension_numbers = #tpu.dot_dimension_numbers<[1], [0], [0], [1], [0, 0, 1, 1], [], []>, transpose_lhs_hint = false} : vector<5200x256xbf16>, vector<256x256xbf16>, vector<5200x256xf32> -> vector<5200x256xf32>
      %get3A_167 = arith.constant 0 : index
      %get3A_168 = arith.constant 0 : index
      %get3A_169 = vector.load %arg16[%get3A_167, %get3A_168] : memref<1x256xf32, #tpu.memory_space<vmem>>, vector<1x256xf32>
      %add3A_170 = vector.broadcast %get3A_169 : vector<1x256xf32> to vector<5200x256xf32>
      %add3A_171 = arith.addf %dot_general3A_166, %add3A_170 : vector<5200x256xf32>
      %max3A_172 = arith.constant 0.000000e+00 : f32
      %max3A_173 = vector.broadcast %max3A_172 : f32 to vector<5200x256xf32>
      %max3A_174 = arith.maximumf %add3A_171, %max3A_173 : vector<5200x256xf32>
      %convert_element_type3A_175 = arith.truncf %max3A_174 : vector<5200x256xf32> to vector<5200x256xbf16>
      %get3A_176 = arith.constant 0 : index
      %get3A_177 = arith.constant 0 : index
      %get3A_178 = vector.load %arg17[%get3A_176, %get3A_177] : memref<256x128xbf16, #tpu.memory_space<vmem>>, vector<256x128xbf16>
      %dot_general3A_179 = arith.constant dense<0.000000e+00> : vector<5200x128xf32>
      %dot_general3A_180 = tpu.matmul %convert_element_type3A_175, %get3A_178, %dot_general3A_179 {dimension_numbers = #tpu.dot_dimension_numbers<[1], [0], [0], [1], [0, 0, 1, 1], [], []>, transpose_lhs_hint = false} : vector<5200x256xbf16>, vector<256x128xbf16>, vector<5200x128xf32> -> vector<5200x128xf32>
      %get3A_181 = arith.constant 0 : index
      %get3A_182 = arith.constant 0 : index
      %get3A_183 = vector.load %arg18[%get3A_181, %get3A_182] : memref<1x128xf32, #tpu.memory_space<vmem>>, vector<1x128xf32>
      %add3A_184 = vector.broadcast %get3A_183 : vector<1x128xf32> to vector<5200x128xf32>
      %add3A_185 = arith.addf %dot_general3A_180, %add3A_184 : vector<5200x128xf32>
      %add3A_186 = arith.constant 104 : i32
      %add3A_187 = arith.addi %mul3A_0, %add3A_186 : i32
      %swap3A = arith.index_cast %select_n3A_26 : i32 to index
      %swap3A_188 = arith.index_cast %add3A_187 : i32 to index
      %swap3A_189 = arith.constant 0 : index
      %swap3A_190 = vector.load %arg24[%swap3A, %swap3A_188, %swap3A_189] : memref<2x10608x128xf32, #tpu.memory_space<vmem>>, vector<1x5200x128xf32>
      %swap3A_191 = vector.shape_cast %swap3A_190 : vector<1x5200x128xf32> to vector<5200x128xf32>
      %swap3A_192 = vector.shape_cast %add3A_185 : vector<5200x128xf32> to vector<1x5200x128xf32>
      tpu.vector_store %arg24[%swap3A, %swap3A_188, %swap3A_189], %swap3A_192 {strides = array<i32>} : memref<2x10608x128xf32, #tpu.memory_space<vmem>>, vector<1x5200x128xf32>,
      %eq3A_193 = arith.constant 0 : i32
      %eq3A_194 = arith.cmpi eq, %arg2, %eq3A_193 : i32
      %convert_element_type3A_195 = arith.extui %eq3A_194 : i1 to i32
      %cond3A_196 = arith.constant 0 : i32
      %cond3A_197 = arith.cmpi ne, %convert_element_type3A_195, %cond3A_196 : i32
      scf.if %cond3A_197 {
        %slice3A_210 = vector.extract_strided_slice %add3A_185 {offsets = [0, 0], sizes = [104, 128], strides = [1, 1]} : vector<5200x128xf32> to vector<104x128xf32>
        %swap3A_211 = arith.index_cast %select_n3A_26 : i32 to index
        %swap3A_212 = arith.constant 0 : index
        %swap3A_213 = arith.constant 0 : index
        %swap3A_214 = vector.load %arg24[%swap3A_211, %swap3A_212, %swap3A_213] : memref<2x10608x128xf32, #tpu.memory_space<vmem>>, vector<1x104x128xf32>
        %swap3A_215 = vector.shape_cast %swap3A_214 : vector<1x104x128xf32> to vector<104x128xf32>
        %swap3A_216 = vector.shape_cast %slice3A_210 : vector<104x128xf32> to vector<1x104x128xf32>
        tpu.vector_store %arg24[%swap3A_211, %swap3A_212, %swap3A_213], %swap3A_216 {strides = array<i32>} : memref<2x10608x128xf32, #tpu.memory_space<vmem>>, vector<1x104x128xf32>,
      } else {
      }
      %eq3A_198 = arith.constant 1 : i32
      %eq3A_199 = arith.cmpi eq, %arg2, %eq3A_198 : i32
      %convert_element_type3A_200 = arith.extui %eq3A_199 : i1 to i32
      %cond3A_201 = arith.constant 0 : i32
      %cond3A_202 = arith.cmpi ne, %convert_element_type3A_200, %cond3A_201 : i32
      scf.if %cond3A_202 {
        %slice3A_210 = vector.extract_strided_slice %add3A_185 {offsets = [5096, 0], sizes = [104, 128], strides = [1, 1]} : vector<5200x128xf32> to vector<104x128xf32>
        %swap3A_211 = arith.index_cast %select_n3A_26 : i32 to index
        %swap3A_212 = arith.constant 10504 : index
        %swap3A_213 = arith.constant 0 : index
        %swap3A_214 = vector.load %arg24[%swap3A_211, %swap3A_212, %swap3A_213] : memref<2x10608x128xf32, #tpu.memory_space<vmem>>, vector<1x104x128xf32>
        %swap3A_215 = vector.shape_cast %swap3A_214 : vector<1x104x128xf32> to vector<104x128xf32>
        %swap3A_216 = vector.shape_cast %slice3A_210 : vector<104x128xf32> to vector<1x104x128xf32>
        tpu.vector_store %arg24[%swap3A_211, %swap3A_212, %swap3A_213], %swap3A_216 {strides = array<i32>} : memref<2x10608x128xf32, #tpu.memory_space<vmem>>, vector<1x104x128xf32>,
      } else {
      }
      %convert_element_type3A_203 = arith.truncf %add3A_185 : vector<5200x128xf32> to vector<5200x128xbf16>
      %swap3A_204 = arith.constant 0 : index
      %swap3A_205 = arith.constant 0 : index
      %swap3A_206 = arith.constant 0 : index
      %swap3A_207 = vector.load %arg23[%swap3A_204, %swap3A_205, %swap3A_206] : memref<1x5200x128xbf16, #tpu.memory_space<vmem>>, vector<1x5200x128xbf16>
      %swap3A_208 = vector.shape_cast %swap3A_207 : vector<1x5200x128xbf16> to vector<5200x128xbf16>
      %swap3A_209 = vector.shape_cast %convert_element_type3A_203 : vector<5200x128xbf16> to vector<1x5200x128xbf16>
      tpu.vector_store %arg23[%swap3A_204, %swap3A_205, %swap3A_206], %swap3A_209 {strides = array<i32>} : memref<1x5200x128xbf16, #tpu.memory_space<vmem>>, vector<1x5200x128xbf16>,
    } else {
    }
    return
  }
  func.func @transform_0(%arg0: i32, %arg1: i32, %arg2: i32) -> (i32, i32, i32) {
    %c0_i32 = arith.constant 0 : i32
    %c0_i32_0 = arith.constant 0 : i32
    return %arg0, %arg2, %c0_i32 : i32, i32, i32
  }
  func.func @transform_1(%arg0: i32, %arg1: i32, %arg2: i32) -> (i32, i32) {
    %c0_i32 = arith.constant 0 : i32
    %c0_i32_0 = arith.constant 0 : i32
    return %arg2, %c0_i32 : i32, i32
  }
  func.func @transform_2(%arg0: i32, %arg1: i32, %arg2: i32) -> (i32, i32) {
    %c0_i32 = arith.constant 0 : i32
    %c0_i32_0 = arith.constant 0 : i32
    %c0_i32_1 = arith.constant 0 : i32
    return %c0_i32, %c0_i32_0 : i32, i32
  }
  func.func @transform_3(%arg0: i32, %arg1: i32, %arg2: i32) -> (i32, i32) {
    %c0_i32 = arith.constant 0 : i32
    %c0_i32_0 = arith.constant 0 : i32
    %c0_i32_1 = arith.constant 0 : i32
    return %c0_i32, %c0_i32_0 : i32, i32
  }
  func.func @transform_4(%arg0: i32, %arg1: i32, %arg2: i32) -> (i32, i32) {
    %c0_i32 = arith.constant 0 : i32
    %c0_i32_0 = arith.constant 0 : i32
    %c0_i32_1 = arith.constant 0 : i32
    return %c0_i32, %c0_i32_0 : i32, i32
  }
  func.func @transform_5(%arg0: i32, %arg1: i32, %arg2: i32) -> (i32, i32) {
    %c0_i32 = arith.constant 0 : i32
    %c0_i32_0 = arith.constant 0 : i32
    %c0_i32_1 = arith.constant 0 : i32
    return %c0_i32, %c0_i32_0 : i32, i32
  }
  func.func @transform_6(%arg0: i32, %arg1: i32, %arg2: i32) -> (i32, i32) {
    %c0_i32 = arith.constant 0 : i32
    %c0_i32_0 = arith.constant 0 : i32
    %c0_i32_1 = arith.constant 0 : i32
    return %c0_i32, %c0_i32_0 : i32, i32
  }
  func.func @transform_7(%arg0: i32, %arg1: i32, %arg2: i32) -> (i32, i32) {
    %c0_i32 = arith.constant 0 : i32
    %c0_i32_0 = arith.constant 0 : i32
    %c0_i32_1 = arith.constant 0 : i32
    return %c0_i32, %c0_i32_0 : i32, i32
  }
  func.func @transform_8(%arg0: i32, %arg1: i32, %arg2: i32) -> (i32, i32) {
    %c0_i32 = arith.constant 0 : i32
    %c0_i32_0 = arith.constant 0 : i32
    %c0_i32_1 = arith.constant 0 : i32
    return %c0_i32, %c0_i32_0 : i32, i32
  }
  func.func @transform_9(%arg0: i32, %arg1: i32, %arg2: i32) -> (i32, i32) {
    %c0_i32 = arith.constant 0 : i32
    %c0_i32_0 = arith.constant 0 : i32
    %c0_i32_1 = arith.constant 0 : i32
    return %c0_i32, %c0_i32_0 : i32, i32
  }
  func.func @transform_10(%arg0: i32, %arg1: i32, %arg2: i32) -> (i32, i32) {
    %c0_i32 = arith.constant 0 : i32
    %c0_i32_0 = arith.constant 0 : i32
    %c0_i32_1 = arith.constant 0 : i32
    return %c0_i32, %c0_i32_0 : i32, i32
  }
  func.func @transform_11(%arg0: i32, %arg1: i32, %arg2: i32) -> (i32, i32) {
    %c0_i32 = arith.constant 0 : i32
    %c0_i32_0 = arith.constant 0 : i32
    %c0_i32_1 = arith.constant 0 : i32
    return %c0_i32, %c0_i32_0 : i32, i32
  }
  func.func @transform_12(%arg0: i32, %arg1: i32, %arg2: i32) -> (i32, i32) {
    %c0_i32 = arith.constant 0 : i32
    %c0_i32_0 = arith.constant 0 : i32
    %c0_i32_1 = arith.constant 0 : i32
    return %c0_i32, %c0_i32_0 : i32, i32
  }
  func.func @transform_13(%arg0: i32, %arg1: i32, %arg2: i32) -> (i32, i32) {
    %c0_i32 = arith.constant 0 : i32
    %c0_i32_0 = arith.constant 0 : i32
    %c0_i32_1 = arith.constant 0 : i32
    return %c0_i32, %c0_i32_0 : i32, i32
  }
  func.func @transform_14(%arg0: i32, %arg1: i32, %arg2: i32) -> (i32, i32) {
    %c0_i32 = arith.constant 0 : i32
    %c0_i32_0 = arith.constant 0 : i32
    %c0_i32_1 = arith.constant 0 : i32
    return %c0_i32, %c0_i32_0 : i32, i32
  }
  func.func @transform_15(%arg0: i32, %arg1: i32, %arg2: i32) -> (i32, i32) {
    %c0_i32 = arith.constant 0 : i32
    %c0_i32_0 = arith.constant 0 : i32
    %c0_i32_1 = arith.constant 0 : i32
    return %c0_i32, %c0_i32_0 : i32, i32
  }
  func.func @transform_16(%arg0: i32, %arg1: i32, %arg2: i32) -> (i32, i32) {
    %c0_i32 = arith.constant 0 : i32
    %c0_i32_0 = arith.constant 0 : i32
    %c0_i32_1 = arith.constant 0 : i32
    return %c0_i32, %c0_i32_0 : i32, i32
  }
  func.func @transform_17(%arg0: i32, %arg1: i32, %arg2: i32) -> (i32, i32) {
    %c0_i32 = arith.constant 0 : i32
    %c0_i32_0 = arith.constant 0 : i32
    %c0_i32_1 = arith.constant 0 : i32
    return %c0_i32, %c0_i32_0 : i32, i32
  }
  func.func @transform_18(%arg0: i32, %arg1: i32, %arg2: i32) -> (i32, i32) {
    %c0_i32 = arith.constant 0 : i32
    %c0_i32_0 = arith.constant 0 : i32
    return %arg2, %c0_i32 : i32, i32
  }
  func.func @transform_19(%arg0: i32, %arg1: i32, %arg2: i32) -> (i32, i32) {
    %c0_i32 = arith.constant 0 : i32
    %c0_i32_0 = arith.constant 0 : i32
    %c0_i32_1 = arith.constant 0 : i32
    return %c0_i32, %c0_i32_0 : i32, i32
  }
  func.func @transform_20(%arg0: i32, %arg1: i32, %arg2: i32) -> (i32, i32, i32) {
    %c0_i32 = arith.constant 0 : i32
    %c0_i32_0 = arith.constant 0 : i32
    return %arg0, %arg2, %c0_i32 : i32, i32, i32
  }
}

</mosaic_0001>

<sc_bundles>
// kernel: sparse-core-data-format-call.1.cloned.1.call-start
scs
called_computation.1_lowered:
.L_overlay_start_0:
0x0: {  	s1 =	sld [smem:$0x3FD9]  }
0x1: {  	s2 =	sld [smem:$0x3FFE];
	_ =	sdelay $0x1  }
0x2: {  	s3 =	srdreg.scid  }
0x3: {  	s0 =	sand.u32 $0x1, s3  }
0x4: {  	s17 =	sshll.u32 s0, $0xA;
	s1 =	sadd.s32 s2, s1  }
0x5: {  	s1 =	sadd.s32 s1, s17  }
0x6: {  	[smem:$0x3FB4] =	sst s1  }
0x7: {  	_ = 	snop  }
0x8: {  	(tm) =	ssettm $0x1  }
0x9: {  	s18 =	sld [smem:$0x3FFB];
	_ =	sdelay $0x3  }
0xa: {  	_ =	strace s18  }
0xb: {  	s1 =	sld [smem:$0x3FFC];
	_ =	sdelay $0x3  }
0xc: {  	_ =	strace s1  }
0xd: {  	s1 =	sld [smem:$0x3FFD];
	_ =	sdelay $0x3  }
0xe: {  	_ =	strace s1  }
0xf: {  	_ =	strace $0x8FFFFFFF  }
0x10: {  	s19 =	sld [smem:$0x3FDB];
	_ =	sdelay $0x1  }
0x11: {  	s20 =	simm.s32 $_scs_section_size  }
0x12: {  	s4 =	simm.s32 $_size__tile_overlayer_lowered;
	s5 =	simm.s32 $_tile_overlayer_lowered  }
0x13: {  	s23 =	simm.s32 $0x1BFF;
	s22 =	sshll.u32 s5, $0x1;
	s1 =	sadd.s32 s20, s19  }
0x14: {  	s6 =	simm.s32 $0x0;
	s21 =	sshll.u32 s4, $0x1;
	s4 =	sadd.s32 s22, s1  }
0x15: {  	[timem:s6], [sflag:s23] =	dma.local [hbm:s4], s21  }
0x16: {  	_ =	swait.ge [sflag:s23], s21  }
0x17: {  	s2 =	ssub.s32 $0x0, s21;
	[sflag:s23] =	ssyncset.done $0x0  }
0x18: {  	[sflag:s23] =	ssyncadd.s32 s2;
	_ =	sdelay $0x1  }
0x19: {  	s24 =	simm.s32 $0x1B8B  }
0x1a: {  	_ =	swait.ge [sflag:s24], $0x1  }
0x1b: {  	[sflag:s24] =	ssyncset.done $0x0  }
0x1c: {  	s26 =	simm.s32 $0x1B8E;
	s25 =	sld [smem:$0x3FFE];
	[sflag:s24] =	ssyncadd.s32 $0xFFFFFFFF  }
0x1d: {  	s27 =	simm.s32 $execute0_lowered;
	[smem:$0x3FD2] =	sst s26  }
0x1e: {  	s4 =	sshll.u32 s27, $0x1;
	_ =	strace $0x80000049;
	[dreg:$0x1] =	wrdreg $0xFFFFFFFF  }
0x1f: {  	s28 =	simm.s32 $_size_execute0_lowered;
	s1 =	sadd.s32 s1, s4;
	[dreg:$0x0] =	wrdreg $0x0  }
0x20: {  	s4 =	sshll.u32 s28, $0x1;
	[dreg:$0x2] =	wrdreg s1  }
0x21: {  	[dreg:$0x3] =	wrdreg s4  }
0x22: {  	[dreg:$0x4] =	wrdreg $0xC0  }
0x23: {  	_ =	task [dreg:s6], $0x5FFFF  }
0x24: {  	[dreg:$0x1] =	wrdreg $0xFFFFFFFF  }
0x25: {  	[dreg:$0x0] =	wrdreg $0x60  }
0x26: {  	[dreg:$0x2] =	wrdreg s25  }
0x27: {  	[dreg:$0x3] =	wrdreg $0x9  }
0x28: {  	_ =	task.clear_ibuf [dreg:s6], $0x4FFFF;
	_ =	strace $0x90000049  }
0x29: {  	s29 =	simm.s32 $0x9;
	_ =	strace $0x8000004B  }
0x2a: {  	_ =	swait.ge [sflag:s29], $0x1  }
0x2b: {  	[sflag:s29] =	ssyncadd.s32 $0xFFFFFFFF  }
0x2c: {  	_ =	strace $0x9000004B  }
0x2d: {  	_ =	sfence  }
0x2e: {  	s30 =	sld [smem:$0x0];
	_ =	sdelay $0x2  }
0x2f: {  	s31 =	sshll.u32 s3, $0xD;
	s3 =	sshrl.u32 s3, $0x2  }
0x30: {  	s2 =	sand.u32 $0x4000, s31;
	s1 =	sadd.s32 s3, s30  }
0x31: {  	s0 =	sor.u32 s2, s0;
	s1 =	sshll.u32 s1, $0x11  }
0x32: {  	s0 =	sor.u32 s1, s0  }
0x33: {  	s0 =	sadd.s32 $0x8F2B, s0  }
0x34: {  	[sflag:s0] =	ssyncadd.remote.s32 $0x1  }
0x35: {  	_ =	sfence.sel $0xFFFF  }
0x36: {  	[dreg:$0x0] =	wrdreg $0xFFFFFFFF;
	(pc) =	sbr.abs _section_cstart, $3  }
0x37: {  	[dreg:$0x1] =	wrdreg $0xFFFFFFFF  }
0x38: {  	_ =	task.clear_ibuf [dreg:s6], $0x2FFFF;
	_ =	strace $0x9FFFFFFF  }
0x39: {  	(tm) =	ssettm $0x7FFFFFFF  }
tec
execute0_lowered:
.L_overlay_start_1:
0x0: {  	(tag) =	ssettag $0x1  }
0x1: {  	s0 =	srdreg.scid  }
0x2: {  	s1 =	rddreg [dreg:$0x0];
	s3 =	stileid.u32  }
0x3: {  	_ =	strace $0x8000004A;
	s5 =	simm.s32 $0x1;
	s23 =	simm.s32 $0x2  }
0x4: {  	s29 =	simm.s32 $0x0;
	s15 =	simm.s32 $0x0;
	s2 =	sadd.s32 $0x13B400, s1  }
0x5: {  	s30 =	simm.s32 $0x0;
	s22 =	sadd.s32 $0x273C00, s1;
	s24 =	sadd.s32 $0x288100, s1  }
0x6: {  	s27 =	simm.s32 $0x0;
	s25 =	sadd.s32 $0x29C600, s1;
	s26 =	sadd.s32 $0x2B0B00, s1  }
0x7: {  	s0 =	sshll.u32 s0, $0x4;
	s31 =	sadd.s32 $0x2C5000, s1;
	s10 =	sadd.s32 $0x2D9500, s1  }
0x8: {  	[sflag:s5] =	ssyncpa.u1 $0x0;
	s11 =	sadd.s32 $0x2EDA00, s1;
	s12 =	sadd.s32 $0x301F00, s1  }
0x9: {  	s13 =	sadd.s32 $0x316400, s1;
	s14 =	sadd.s32 $0x32A900, s1;
	s0 =	sand.u32 $0x10, s0  }
0xa: {  	s16 =	sadd.s32 $0x33EE00, s1;
	s17 =	sadd.s32 $0x353300, s1;
	s0 =	sor.u32 s3, s0  }
0xb: {  	s18 =	sadd.s32 $0x367800, s1;
	s19 =	sadd.s32 $0x37BD00, s1;
	s4 =	sshll.u32 s0, $0x2  }
0xc: {  	s20 =	sadd.s32 $0x390200, s1;
	[dreg:$0x2] =	wrdreg s22;
	s3 =	ssub.s32 $0x64, s4  }
0xd: {  	s21 =	sadd.s32 $0x3A4700, s1;
	[dreg:$0x3] =	wrdreg s24;
	p0 =	sgt.s32 s3, $0x0  }
.Ltmp0:
0xe: {  	[dreg:$0x4] =	wrdreg s25;
	s3 =	simm.s32 @!p0 $0x0;
	(pc) =	sbr.rel .LBB1_1-.Ltmp0, $4  }
0xf: {  	[sflag:s23] =	ssyncpa.u1 $0x0;
	[dreg:$0x5] =	wrdreg s26;
	s28 =	sand.u32 $0x7C, s3  }
0x10: {  	[dreg:$0x6] =	wrdreg s31;
	s23 =	simm.s32 $0x100;
	p0 =	seq.s32 s28, $0x0  }
0x11: {  	s24 =	simm.s32 $0x1A00;
	s25 =	simm.s32 $0x0;
	s15 =	simm.s32 @!p0 $0x19  }
0x12: {  	s26 =	smov.u32 s4;
	p0 =	por $0x0, $0x0;
	s22 =	sadd.s32 $0x1, s15  }
.LBB1_9:
0x13: {  	s0 =	sadd.s32 $0x4, s25  }
0x14: {  	s3 =	sadd.s32 $0x80, s26;
	s6 =	smov.u32 s26;
	p2 =	sgt.s32 s0, $0x63  }
0x15: {  	s6 =	smov.u32 @p2 s3  }
0x16: {  	s0 =	simm.s32 @p2 $0x0;
	p2 =	sgt.s32 s6, $0x63  }
0x17: {  	s6 =	smov.u32 @p2 s4;
	p2 =	sne.s32 s27, s22  }
.Ltmp1:
0x18: {  	p1 =	slt.u32 s27, $0x2;
	(pc) =	sbr.rel @!p2 .LBB1_10-.Ltmp1, $4  }
0x19: {  	s1 =	simm.s32 @!p1 $0x2  }
0x1a: {  	s29 =	smov.u32 s25;
	s30 =	smov.u32 s26;
	_ =	swait.ge @!p1 [sflag:s1], $0x4000  }
0x1b: {  	p0 =	por !p0, !p0;
	[sflag:s1] =	ssyncset.done @!p1 $0x0;
	s25 =	smov.u32 s0  }
0x1c: {  	s27 =	sadd.s32 $0x1, s27;
	[sflag:s1] =	ssyncadd.s32 @!p1 $0xFFFFC000;
	s26 =	smov.u32 s6  }
.LBB1_1:
0x1d: {  	p1 =	sge.u32 s27, s15  }
0x1e: {  	s0 =	smul.u32 @!p1 $0x3200, s26  }
0x1f: {  	s31 =	sadd.s32 $0xFFFFFFFF, s27;
	s1 =	sxor.u32 @!p1 $0xFFFFFFFF, s27;
	s3 =	sshll.u32 @!p1 s25, $0x7  }
0x20: {  	s6 =	simm.s32 @!p1 $0x19000;
	s1 =	sshll.u32 @!p1 s1, $0xE;
	s0 =	sadd.s32 @!p1 s2, s0  }
0x21: {  	s1 =	sand.u32 @!p1 $0x4000, s1;
	s0 =	sadd.s32 @!p1 s3, s0;
	s3 =	simm.s32 @!p1 $0x1000  }
0x22: {  	[tilespmem:s1], [sflag:$0x1] =	stream.strided.gather @!p1 [hbm4b:s0+s3], $0x4000, s6, s3, $0x38;
	[tilespmem:$0x10000] =	vst v63  }
0x23: {  	p1 =	sge.u32 s31, s15  }
.Ltmp2:
0x24: {  	_ = 	snop;
	(pc) =	sbr.rel @p1 .LBB1_9-.Ltmp2, $1  }
0x25: {  	_ =	sdelay $0x3  }
0x26: {  	s0 =	simm.s32 $0x1;
	_ =	swait.ge [sflag:s5], $0x4000;
	s3 =	sshll.u32 s27, $0xE  }
0x27: {  	s0 =	simm.s32 @!p0 $0x0;
	[sflag:s5] =	ssyncset.done $0x0;
	s28 =	sand.u32 $0x4000, s3  }
0x28: {  	s3 =	simm.s32 $0x0;
	s1 =	sshll.u32 s0, $0xE;
	[sflag:s5] =	ssyncadd.s32 $0xFFFFC000  }
0x29: {  	s31 =	sor.u32 $0x8000, s28;
	s0 =	sor.u32 $0x470, s1;
	s1 =	sor.u32 $0x8000, s1  }
.LBB1_3:
0x2a: {  	p2 =	por $0x1, $0x1;
	s6 =	simm.s32 $0x0  }
.LBB1_4:
0x2b: {  	s7 =	sshll.u32 s6, $0xA  }
0x2c: {  	s7 =	sand.u32 $0x3FFFFC00, s7  }
0x2d: {  	s7 =	sadd.s32 s7, s0  }
0x2e: {  	v0 =	vld [tilespmem:s7+$0xFFFFFC00]  }
0x2f: {  	v1 =	vld [tilespmem:s7+$0x0]  }
0x30: {  	v2 =	vld [tilespmem:s7+$0xFFFFFF90]  }
0x31: {  	v3 =	vld [tilespmem:s7+$0xFFFFFBA0]  }
0x32: {  	v4 =	vld [tilespmem:s7+$0xFFFFFFA0]  }
0x33: {  	v5 =	vld [tilespmem:s7+$0xFFFFFBB0]  }
0x34: {  	v7 =	vld [tilespmem:s7+$0xFFFFFFB0]  }
0x35: {  	s9 =	sshll.u32 s6, $0x6;
	v12 =	vld [tilespmem:s7+$0xFFFFFBD0];
	v6 =	vunpack.i.l.s16.s32 v0;
	v8 =	vunpack.i.u.s16.s32 v0;
	v9 =	vunpack.i.u.s16.s32 v1  }
0x36: {  	s6 =	sand.u32 $0x3FFFFFC0, s9;
	v10 =	vunpack.i.l.s16.s32 v1;
	v0 =	vunpack.i.u.s16.s32 v2;
	v1 =	vunpack.i.l.s16.s32 v2;
	v2 =	vld [tilespmem:s7+$0xFFFFFBC0]  }
0x37: {  	s6 =	sadd.s32 s6, s1;
	v11 =	vld [tilespmem:s7+$0xFFFFFFC0];
	v8 =	vpack.i.b32.b16 v9, v8;
	v9 =	vunpack.i.u.s16.s32 v3;
	v3 =	vunpack.i.l.s16.s32 v3  }
0x38: {  	v6 =	vpack.i.b32.b16 v10, v6;
	[tilespmem:s6+$0x470] =	vst v8;
	v8 =	vunpack.i.u.s16.s32 v4;
	v4 =	vunpack.i.l.s16.s32 v4  }
0x39: {  	v13 =	vld [tilespmem:s7+$0xFFFFFFD0];
	v10 =	vunpack.i.u.s16.s32 v5;
	v5 =	vunpack.i.l.s16.s32 v5;
	[tilespmem:s6+$0x70] =	vst v6;
	v3 =	vpack.i.b32.b16 v4, v3  }
0x3a: {  	v6 =	vunpack.i.u.s16.s32 v7;
	v7 =	vunpack.i.l.s16.s32 v7;
	v4 =	vld [tilespmem:s7+$0xFFFFFBE0];
	[tilespmem:s6+$0x10] =	vst v3;
	v3 =	vpack.i.b32.b16 v8, v9  }
0x3b: {  	v8 =	vunpack.i.l.s16.s32 v12;
	[tilespmem:s6+$0x410] =	vst v3;
	v3 =	vpack.i.b32.b16 v7, v5;
	v9 =	vunpack.i.u.s16.s32 v2;
	v5 =	vld [tilespmem:s7+$0xFFFFFFE0]  }
0x3c: {  	v7 =	vunpack.i.l.s16.s32 v2;
	v2 =	vld [tilespmem:s7+$0xFFFFFBF0];
	[tilespmem:s6+$0x20] =	vst v3;
	v3 =	vpack.i.b32.b16 v6, v10;
	v6 =	vunpack.i.l.s16.s32 v11  }
0x3d: {  	p1 =	por p2, p2;
	v10 =	vunpack.i.u.s16.s32 v11;
	[tilespmem:s6+$0x420] =	vst v3;
	v11 =	vpack.i.b32.b16 v6, v7;
	v7 =	vunpack.i.u.s16.s32 v12;
	v3 =	vld [tilespmem:s7+$0xFFFFFFF0]  }
0x3e: {  	s8 =	simm.s32 $0x0;
	s9 =	sadd.s32 $0x80, s7;
	v6 =	vld [tilespmem:s7+$0xFFFFFB90];
	v10 =	vpack.i.b32.b16 v10, v9;
	v9 =	vunpack.i.u.s16.s32 v13;
	s7 =	smov.u32 s6;
	[tilespmem:s6+$0x30] =	vst v11;
	v11 =	vunpack.i.l.s16.s32 v13  }
.LBB1_5:
0x3f: {  	v12 =	vld [tilespmem:s9+$0xFFFFFC00];
	[tilespmem:s6+$0x430] =	vst v10;
	v8 =	vpack.i.b32.b16 v11, v8;
	v10 =	vunpack.i.u.s16.s32 v4;
	v4 =	vunpack.i.l.s16.s32 v4  }
0x40: {  	s8 =	sadd.s32 $0x2, s8;
	v7 =	vpack.i.b32.b16 v9, v7;
	v11 =	vld [tilespmem:s9+$0x0];
	[tilespmem:s6+$0x40] =	vst v8;
	v8 =	vunpack.i.u.s16.s32 v5;
	v5 =	vunpack.i.l.s16.s32 v5  }
0x41: {  	p2 =	slt.u32 s8, $0xE;
	v9 =	vld [tilespmem:s9+$0xFFFFFF90];
	[tilespmem:s6+$0x440] =	vst v7;
	v4 =	vpack.i.b32.b16 v5, v4;
	v5 =	vunpack.i.u.s16.s32 v2;
	v2 =	vunpack.i.l.s16.s32 v2  }
0x42: {  	v7 =	vld [tilespmem:s9+$0xFFFFFBA0];
	[tilespmem:s6+$0x50] =	vst v4;
	v4 =	vpack.i.b32.b16 v8, v10;
	v8 =	vunpack.i.u.s16.s32 v3;
	v3 =	vunpack.i.l.s16.s32 v3  }
0x43: {  	v10 =	vld [tilespmem:s9+$0xFFFFFFA0];
	v13 =	vunpack.i.u.s16.s32 v6;
	v6 =	vunpack.i.l.s16.s32 v6;
	[tilespmem:s6+$0x450] =	vst v4;
	v2 =	vpack.i.b32.b16 v3, v2  }
0x44: {  	v3 =	vld [tilespmem:s9+$0xFFFFFBB0];
	v4 =	vunpack.i.l.s16.s32 v12;
	v1 =	vpack.i.b32.b16 v1, v6;
	v6 =	vpack.i.b32.b16 v0, v13;
	[tilespmem:s6+$0x60] =	vst v2  }
0x45: {  	v12 =	vunpack.i.u.s16.s32 v12;
	v2 =	vld [tilespmem:s9+$0xFFFFFFB0];
	v13 =	vunpack.i.u.s16.s32 v11;
	v11 =	vunpack.i.l.s16.s32 v11;
	[tilespmem:s6+$0x0] =	vst v1  }
0x46: {  	s6 =	sadd.s32 $0x800, s6;
	v0 =	vunpack.i.u.s16.s32 v9;
	v1 =	vunpack.i.l.s16.s32 v9;
	v9 =	vld [tilespmem:s9+$0xFFFFFBC0];
	v12 =	vpack.i.b32.b16 v13, v12;
	[tilespmem:s7+$0x400] =	vst v6  }
0x47: {  	v5 =	vpack.i.b32.b16 v8, v5;
	v6 =	vunpack.i.u.s16.s32 v7;
	v7 =	vunpack.i.l.s16.s32 v7;
	v13 =	vld [tilespmem:s9+$0xFFFFFFC0];
	[tilespmem:s6+$0x470] =	vst v12  }
0x48: {  	v4 =	vpack.i.b32.b16 v11, v4;
	v8 =	vunpack.i.u.s16.s32 v10;
	v10 =	vunpack.i.l.s16.s32 v10;
	v12 =	vld [tilespmem:s9+$0xFFFFFBD0];
	[tilespmem:s7+$0x460] =	vst v5;
	s7 =	smov.u32 s6  }
0x49: {  	v5 =	vpack.i.b32.b16 v10, v7;
	v7 =	vunpack.i.u.s16.s32 v3;
	v3 =	vunpack.i.l.s16.s32 v3;
	v11 =	vld [tilespmem:s9+$0xFFFFFFD0];
	[tilespmem:s6+$0x70] =	vst v4  }
.Ltmp3:
0x4a: {  	[tilespmem:s6+$0x10] =	vst v5;
	v5 =	vpack.i.b32.b16 v8, v6;
	v6 =	vunpack.i.u.s16.s32 v2;
	v2 =	vunpack.i.l.s16.s32 v2;
	v4 =	vld [tilespmem:s9+$0xFFFFFBE0];
	(pc) =	sbr.rel @p2 .LBB1_5-.Ltmp3, $4  }
0x4b: {  	[tilespmem:s6+$0x410] =	vst v5;
	v2 =	vpack.i.b32.b16 v2, v3;
	v10 =	vunpack.i.u.s16.s32 v9;
	v3 =	vunpack.i.l.s16.s32 v9;
	v5 =	vld [tilespmem:s9+$0xFFFFFFE0]  }
0x4c: {  	v6 =	vpack.i.b32.b16 v6, v7;
	[tilespmem:s6+$0x20] =	vst v2;
	v9 =	vunpack.i.u.s16.s32 v13;
	v7 =	vunpack.i.l.s16.s32 v13;
	v2 =	vld [tilespmem:s9+$0xFFFFFBF0]  }
0x4d: {  	[tilespmem:s6+$0x420] =	vst v6;
	v13 =	vpack.i.b32.b16 v7, v3;
	v7 =	vunpack.i.u.s16.s32 v12;
	v8 =	vunpack.i.l.s16.s32 v12;
	v3 =	vld [tilespmem:s9+$0xFFFFFFF0]  }
0x4e: {  	v10 =	vpack.i.b32.b16 v9, v10;
	v6 =	vld [tilespmem:s9+$0xFFFFFB90];
	[tilespmem:s6+$0x30] =	vst v13;
	v9 =	vunpack.i.u.s16.s32 v11;
	v11 =	vunpack.i.l.s16.s32 v11;
	s9 =	sadd.s32 $0x80, s9  }
0x4f: {  	[tilespmem:s6+$0x430] =	vst v10;
	v8 =	vpack.i.b32.b16 v11, v8  }
0x50: {  	v51 =	vunpack.i.l.s16.s32 v4;
	v7 =	vpack.i.b32.b16 v9, v7;
	[tilespmem:s6+$0x40] =	vst v8;
	v52 =	vunpack.i.l.s16.s32 v5  }
0x51: {  	v53 =	vunpack.i.u.s16.s32 v4;
	v54 =	vunpack.i.u.s16.s32 v5;
	[tilespmem:s6+$0x440] =	vst v7;
	v55 =	vpack.i.b32.b16 v52, v51  }
0x52: {  	v56 =	vunpack.i.l.s16.s32 v2;
	v4 =	vpack.i.b32.b16 v54, v53;
	[tilespmem:s6+$0x50] =	vst v55;
	v57 =	vunpack.i.l.s16.s32 v3  }
.Ltmp4:
0x53: {  	[tilespmem:s6+$0x450] =	vst v4;
	v58 =	vunpack.i.l.s16.s32 v6;
	v59 =	vpack.i.b32.b16 v57, v56;
	(pc) =	sbr.rel @p1 .LBB1_4-.Ltmp4, $4  }
0x54: {  	v61 =	vunpack.i.u.s16.s32 v2;
	v62 =	vunpack.i.u.s16.s32 v3;
	v1 =	vpack.i.b32.b16 v1, v58;
	[tilespmem:s6+$0x60] =	vst v59  }
0x55: {  	v60 =	vunpack.i.u.s16.s32 v6;
	v63 =	vpack.i.b32.b16 v62, v61;
	[tilespmem:s6+$0x0] =	vst v1  }
0x56: {  	v0 =	vpack.i.b32.b16 v0, v60;
	[tilespmem:s7+$0x460] =	vst v63  }
0x57: {  	p2 =	por $0x0, $0x0;
	s6 =	simm.s32 $0x2;
	[tilespmem:s7+$0x400] =	vst v0  }
0x58: {  	s3 =	sadd.s32 $0x1, s3  }
0x59: {  	p1 =	sne.s32 s3, $0x4  }
.Ltmp5:
0x5a: {  	_ = 	snop;
	(pc) =	sbr.rel @p1 .LBB1_3-.Ltmp5, $2  }
0x5b: {  	_ =	sdelay $0x2  }
0x5c: {  	s0 =	sadd.s32 $0x1000, s0;
	s1 =	sadd.s32 $0x100, s1  }
0x5d: {  	s0 =	sand.u32 $0x1FFFFFE, s29  }
0x5e: {  	s1 =	smulhi.u32 $0x2762763, s0;
	_ =	sdelay $0x1  }
0x5f: {  	s1 =	smul.u32 $0x68, s1  }
0x60: {  	s3 =	smul.u32 $0x340, s30  }
0x61: {  	s7 =	rddreg [dreg:$0x2];
	s0 =	ssub.s32 s0, s1  }
0x62: {  	s1 =	sadd.s32 s7, s3;
	s0 =	sshll.u32 s0, $0x3  }
0x63: {  	s8 =	rddreg [dreg:$0x3];
	s1 =	sadd.s32 s0, s1  }
0x64: {  	[hbm4b:s1+s23] =	stream.strided.scatter [tilespmem:s31], [sflag:$0x2], $0x400, s24, s23, $0x38;
	[tilespmem:$0x10000] =	vst v63  }
0x65: {  	s1 =	sadd.s32 s3, s8  }
0x66: {  	s6 =	sadd.s32 $0x8400, s28;
	s9 =	rddreg [dreg:$0x4];
	s1 =	sadd.s32 s0, s1  }
0x67: {  	[hbm4b:s1+s23] =	stream.strided.scatter [tilespmem:s6], [sflag:$0x2], $0x400, s24, s23, $0x38;
	[tilespmem:$0x10000] =	vst v63  }
0x68: {  	s1 =	sadd.s32 s3, s9  }
0x69: {  	s29 =	sadd.s32 $0x8800, s28;
	s30 =	rddreg [dreg:$0x5];
	s1 =	sadd.s32 s0, s1  }
0x6a: {  	[hbm4b:s1+s23] =	stream.strided.scatter [tilespmem:s29], [sflag:$0x2], $0x400, s24, s23, $0x38;
	[tilespmem:$0x10000] =	vst v63  }
0x6b: {  	s1 =	sadd.s32 s3, s30  }
0x6c: {  	s7 =	rddreg [dreg:$0x6];
	s31 =	sadd.s32 $0x8C00, s28;
	s1 =	sadd.s32 s0, s1  }
0x6d: {  	[hbm4b:s1+s23] =	stream.strided.scatter [tilespmem:s31], [sflag:$0x2], $0x400, s24, s23, $0x38;
	[tilespmem:$0x10000] =	vst v63  }
0x6e: {  	s1 =	sadd.s32 s3, s7  }
0x6f: {  	s8 =	sadd.s32 $0x9000, s28;
	s9 =	sadd.s32 s3, s10;
	s1 =	sadd.s32 s0, s1  }
0x70: {  	[hbm4b:s1+s23] =	stream.strided.scatter [tilespmem:s8], [sflag:$0x2], $0x400, s24, s23, $0x38;
	[tilespmem:$0x10000] =	vst v63  }
0x71: {  	s29 =	sadd.s32 $0x9400, s28;
	s30 =	sadd.s32 s3, s11;
	s1 =	sadd.s32 s0, s9  }
0x72: {  	[hbm4b:s1+s23] =	stream.strided.scatter [tilespmem:s29], [sflag:$0x2], $0x400, s24, s23, $0x38;
	[tilespmem:$0x10000] =	vst v63  }
0x73: {  	s31 =	sadd.s32 $0x9800, s28;
	s7 =	sadd.s32 s3, s12;
	s1 =	sadd.s32 s0, s30  }
0x74: {  	[hbm4b:s1+s23] =	stream.strided.scatter [tilespmem:s31], [sflag:$0x2], $0x400, s24, s23, $0x38;
	[tilespmem:$0x10000] =	vst v63  }
0x75: {  	s8 =	sadd.s32 $0x9C00, s28;
	s9 =	sadd.s32 s3, s13;
	s1 =	sadd.s32 s0, s7  }
0x76: {  	[hbm4b:s1+s23] =	stream.strided.scatter [tilespmem:s8], [sflag:$0x2], $0x400, s24, s23, $0x38;
	[tilespmem:$0x10000] =	vst v63  }
0x77: {  	s29 =	sadd.s32 $0xA000, s28;
	s30 =	sadd.s32 s3, s14;
	s1 =	sadd.s32 s0, s9  }
0x78: {  	[hbm4b:s1+s23] =	stream.strided.scatter [tilespmem:s29], [sflag:$0x2], $0x400, s24, s23, $0x38;
	[tilespmem:$0x10000] =	vst v63  }
0x79: {  	s31 =	sadd.s32 $0xA400, s28;
	s7 =	sadd.s32 s3, s16;
	s1 =	sadd.s32 s0, s30  }
0x7a: {  	[hbm4b:s1+s23] =	stream.strided.scatter [tilespmem:s31], [sflag:$0x2], $0x400, s24, s23, $0x38;
	[tilespmem:$0x10000] =	vst v63  }
0x7b: {  	s8 =	sadd.s32 $0xA800, s28;
	s9 =	sadd.s32 s3, s17;
	s1 =	sadd.s32 s0, s7  }
0x7c: {  	[hbm4b:s1+s23] =	stream.strided.scatter [tilespmem:s8], [sflag:$0x2], $0x400, s24, s23, $0x38;
	[tilespmem:$0x10000] =	vst v63  }
0x7d: {  	s29 =	sadd.s32 $0xAC00, s28;
	s30 =	sadd.s32 s3, s18;
	s1 =	sadd.s32 s0, s9  }
0x7e: {  	[hbm4b:s1+s23] =	stream.strided.scatter [tilespmem:s29], [sflag:$0x2], $0x400, s24, s23, $0x38;
	[tilespmem:$0x10000] =	vst v63  }
0x7f: {  	s31 =	sadd.s32 $0xB000, s28;
	s7 =	sadd.s32 s3, s19;
	s1 =	sadd.s32 s0, s30  }
0x80: {  	[hbm4b:s1+s23] =	stream.strided.scatter [tilespmem:s31], [sflag:$0x2], $0x400, s24, s23, $0x38;
	[tilespmem:$0x10000] =	vst v63  }
0x81: {  	s8 =	sadd.s32 $0xB400, s28;
	s1 =	sadd.s32 s0, s7  }
0x82: {  	[hbm4b:s1+s23] =	stream.strided.scatter [tilespmem:s8], [sflag:$0x2], $0x400, s24, s23, $0x38;
	[tilespmem:$0x10000] =	vst v63  }
.Ltmp6:
0x83: {  	s9 =	sadd.s32 s3, s20;
	(pc) =	sbr.rel .LBB1_9-.Ltmp6, $4  }
0x84: {  	s29 =	sadd.s32 $0xB800, s28;
	s30 =	sadd.s32 s3, s21;
	s1 =	sadd.s32 s0, s9  }
0x85: {  	[hbm4b:s1+s23] =	stream.strided.scatter [tilespmem:s29], [sflag:$0x2], $0x400, s24, s23, $0x38;
	[tilespmem:$0x10000] =	vst v63  }
0x86: {  	s31 =	sadd.s32 $0xBC00, s28;
	s0 =	sadd.s32 s0, s30  }
0x87: {  	[hbm4b:s0+s23] =	stream.strided.scatter [tilespmem:s31], [sflag:$0x2], $0x400, s24, s23, $0x38;
	[tilespmem:$0x10000] =	vst v63  }
.LBB1_10:
0x88: {  	_ =	sfence.sel $0x180000  }
0x89: {  	s0 =	simm.s32 $0x1;
	[bflag:$0x0] =	sbarrier.arrive $0xFFFF  }
0x8a: {  	s30 =	simm.s32 $0x2;
	[sflag:s0] =	ssyncpa.u1 $0x1  }
0x8b: {  	[sflag:s30] =	ssyncpa.u1 $0x1  }
0x8c: {  	_ =	strace $0x9000004A  }
0x8d: {  	s31 =	stileid.u32;
	[bflag:$0x2] =	sbarrier.arrive $0xFFFF  }
0x8e: {  	p0 =	sne.s32 s31, $0x0;
	s0 =	rddreg [dreg:$0x1]  }
0x8f: {  	s0 =	sadd.s32 @!p0 $0x100000, s0  }
0x90: {  	[sflag:s0] =	ssyncadd.tile.s32 @!p0 $0x1;
	_ =	shalt  }
.Lfunc_end1:
_tile_overlayer_lowered:
.L_overlay_start_2:
0x91: {  	(tag) =	ssettag $0x2  }
0x92: {  	s0 =	rddreg [dreg:$0x0];
	s2 =	stileid.u32  }
0x93: {  	s1 =	rddreg [dreg:$0x1];
	p0 =	sne.s32 s2, $0x0  }
0x94: {  	s3 =	rddreg [dreg:$0x2];
	[bflag:$0x3] =	sbarrier.arrive $0xFFFF;
	s2 =	simm.s32 @!p0 $0x1C01  }
0x95: {  	[timem:s3], [sflag:s2] =	dma.local @!p0 [hbm:s0], s1  }
0x96: {  	s0 =	simm.s32 @!p0 $0x1  }
0x97: {  	_ =	swait.ge @!p0 [sflag:s0], s1  }
0x98: {  	s1 =	ssub.s32 @!p0 $0x0, s1;
	[sflag:s0] =	ssyncset.done @!p0 $0x0  }
0x99: {  	[sflag:s0] =	ssyncadd.s32 @!p0 s1  }
0x9a: {  	[bflag:$0x3] =	sbarrier.arrive $0xFFFF  }
0x9b: {  	_ =	shalt  }

// kernel: sparse-core-data-format-call.2.cloned.1.call-start
scs
called_computation.2_lowered:
.L_overlay_start_0:
0x0: {  	s1 =	sld [smem:$0x3FD9]  }
0x1: {  	s2 =	sld [smem:$0x3FFE];
	_ =	sdelay $0x1  }
0x2: {  	s3 =	srdreg.scid  }
0x3: {  	s0 =	sand.u32 $0x1, s3  }
0x4: {  	s17 =	sshll.u32 s0, $0xA;
	s1 =	sadd.s32 s2, s1  }
0x5: {  	s1 =	sadd.s32 s1, s17  }
0x6: {  	[smem:$0x3FB4] =	sst s1  }
0x7: {  	_ = 	snop  }
0x8: {  	(tm) =	ssettm $0x1  }
0x9: {  	s18 =	sld [smem:$0x3FFB];
	_ =	sdelay $0x3  }
0xa: {  	_ =	strace s18  }
0xb: {  	s1 =	sld [smem:$0x3FFC];
	_ =	sdelay $0x3  }
0xc: {  	_ =	strace s1  }
0xd: {  	s1 =	sld [smem:$0x3FFD];
	_ =	sdelay $0x3  }
0xe: {  	_ =	strace s1  }
0xf: {  	_ =	strace $0x8FFFFFFF  }
0x10: {  	s19 =	sld [smem:$0x3FDB];
	_ =	sdelay $0x1  }
0x11: {  	s20 =	simm.s32 $_scs_section_size  }
0x12: {  	s4 =	simm.s32 $_size__tile_overlayer_lowered;
	s5 =	simm.s32 $_tile_overlayer_lowered  }
0x13: {  	s23 =	simm.s32 $0x1BFF;
	s22 =	sshll.u32 s5, $0x1;
	s1 =	sadd.s32 s20, s19  }
0x14: {  	s6 =	simm.s32 $0x0;
	s21 =	sshll.u32 s4, $0x1;
	s4 =	sadd.s32 s22, s1  }
0x15: {  	[timem:s6], [sflag:s23] =	dma.local [hbm:s4], s21  }
0x16: {  	_ =	swait.ge [sflag:s23], s21  }
0x17: {  	s2 =	ssub.s32 $0x0, s21;
	[sflag:s23] =	ssyncset.done $0x0  }
0x18: {  	[sflag:s23] =	ssyncadd.s32 s2;
	_ =	sdelay $0x1  }
0x19: {  	s24 =	simm.s32 $0x1B8B  }
0x1a: {  	_ =	swait.ge [sflag:s24], $0x1  }
0x1b: {  	[sflag:s24] =	ssyncset.done $0x0  }
0x1c: {  	s26 =	simm.s32 $0x1B8E;
	s25 =	sld [smem:$0x3FFE];
	[sflag:s24] =	ssyncadd.s32 $0xFFFFFFFF  }
0x1d: {  	s27 =	simm.s32 $execute0_lowered;
	[smem:$0x3FD2] =	sst s26  }
0x1e: {  	s4 =	sshll.u32 s27, $0x1;
	_ =	strace $0x80000046;
	[dreg:$0x1] =	wrdreg $0xFFFFFFFF  }
0x1f: {  	s28 =	simm.s32 $_size_execute0_lowered;
	s1 =	sadd.s32 s1, s4;
	[dreg:$0x0] =	wrdreg $0x0  }
0x20: {  	s4 =	sshll.u32 s28, $0x1;
	[dreg:$0x2] =	wrdreg s1  }
0x21: {  	[dreg:$0x3] =	wrdreg s4  }
0x22: {  	[dreg:$0x4] =	wrdreg $0xC0  }
0x23: {  	_ =	task [dreg:s6], $0x5FFFF  }
0x24: {  	[dreg:$0x1] =	wrdreg $0xFFFFFFFF  }
0x25: {  	[dreg:$0x0] =	wrdreg $0x60  }
0x26: {  	[dreg:$0x2] =	wrdreg s25  }
0x27: {  	[dreg:$0x3] =	wrdreg $0x9  }
0x28: {  	_ =	task.clear_ibuf [dreg:s6], $0x4FFFF;
	_ =	strace $0x90000046  }
0x29: {  	s29 =	simm.s32 $0x9;
	_ =	strace $0x80000048  }
0x2a: {  	_ =	swait.ge [sflag:s29], $0x1  }
0x2b: {  	[sflag:s29] =	ssyncadd.s32 $0xFFFFFFFF  }
0x2c: {  	_ =	strace $0x90000048  }
0x2d: {  	_ =	sfence  }
0x2e: {  	s30 =	sld [smem:$0x0];
	_ =	sdelay $0x2  }
0x2f: {  	s31 =	sshll.u32 s3, $0xD;
	s3 =	sshrl.u32 s3, $0x2  }
0x30: {  	s2 =	sand.u32 $0x4000, s31;
	s1 =	sadd.s32 s3, s30  }
0x31: {  	s0 =	sor.u32 s2, s0;
	s1 =	sshll.u32 s1, $0x11  }
0x32: {  	s0 =	sor.u32 s1, s0  }
0x33: {  	s0 =	sadd.s32 $0x8F2B, s0  }
0x34: {  	[sflag:s0] =	ssyncadd.remote.s32 $0x1  }
0x35: {  	_ =	sfence.sel $0xFFFF  }
0x36: {  	[dreg:$0x0] =	wrdreg $0xFFFFFFFF;
	(pc) =	sbr.abs _section_cstart, $3  }
0x37: {  	[dreg:$0x1] =	wrdreg $0xFFFFFFFF  }
0x38: {  	_ =	task.clear_ibuf [dreg:s6], $0x2FFFF;
	_ =	strace $0x9FFFFFFF  }
0x39: {  	(tm) =	ssettm $0x7FFFFFFF  }
tec
execute0_lowered:
.L_overlay_start_1:
0x0: {  	(tag) =	ssettag $0x1  }
0x1: {  	s0 =	srdreg.scid  }
0x2: {  	s6 =	rddreg [dreg:$0x0];
	s7 =	simm.s32 $0x1;
	s1 =	sshll.u32 s0, $0x4  }
0x3: {  	s8 =	simm.s32 $0x2;
	s0 =	stileid.u32;
	s1 =	sand.u32 $0x10, s1  }
0x4: {  	s9 =	simm.s32 $0x0;
	s13 =	simm.s32 $0x0;
	s1 =	sor.u32 s0, s1  }
0x5: {  	s14 =	simm.s32 $0x0;
	s11 =	simm.s32 $0x0;
	s2 =	sshll.u32 s1, $0x4  }
0x6: {  	s12 =	simm.s32 $0x0;
	s3 =	sadd.s32 $0x2C00, s6;
	s5 =	ssub.s32 $0x2710, s2  }
.Ltmp0:
0x7: {  	s6 =	sadd.s32 $0x13B400, s6;
	s4 =	sand.u32 $0x1F0, s5;
	(pc) =	sbr.rel .LBB1_1-.Ltmp0, $4  }
0x8: {  	s1 =	rddreg [dreg:$0x1];
	_ =	strace $0x80000047;
	p0 =	sne.s32 s4, $0x0  }
0x9: {  	s5 =	sshrl.u32 s5, $0x9;
	s4 =	simm.s32 $0x1;
	s7 =	simm.s32 @!p0 $0x0  }
0xa: {  	s10 =	smov.u32 s2;
	[sflag:s4] =	ssyncpa.u1 $0x0;
	s5 =	sadd.s32 s7, s5  }
0xb: {  	[sflag:s8] =	ssyncpa.u1 $0x0;
	s8 =	simm.s32 $0x0;
	s7 =	sadd.s32 $0x1, s5  }
.LBB1_7:
0xc: {  	s15 =	sadd.s32 $0x200, s10  }
0xd: {  	s13 =	sadd.s32 $0x10, s11;
	s17 =	smov.u32 s11;
	p1 =	sgt.s32 s15, $0x270F  }
0xe: {  	s17 =	smov.u32 @p1 s13  }
0xf: {  	s15 =	smov.u32 @p1 s2;
	p1 =	sgt.s32 s17, $0xF  }
0x10: {  	s17 =	simm.s32 @p1 $0x0;
	p1 =	sne.s32 s12, s7  }
.Ltmp1:
0x11: {  	p0 =	slt.u32 s12, $0x2;
	(pc) =	sbr.rel @!p1 .LBB1_8-.Ltmp1, $4  }
0x12: {  	s16 =	simm.s32 @!p0 $0x2  }
0x13: {  	s14 =	smov.u32 s11;
	s9 =	sadd.s32 $0x8000, s9;
	_ =	swait.ge @!p0 [sflag:s16], $0x4000  }
0x14: {  	s13 =	smov.u32 s10;
	[sflag:s16] =	ssyncset.done @!p0 $0x0;
	s10 =	smov.u32 s15  }
0x15: {  	s12 =	sadd.s32 $0x1, s12;
	[sflag:s16] =	ssyncadd.s32 @!p0 $0xFFFFC000;
	s11 =	smov.u32 s17  }
.LBB1_1:
0x16: {  	p0 =	sge.u32 s12, s5  }
0x17: {  	s15 =	sand.u32 @!p0 $0x1FFFFFE, s10  }
0x18: {  	s16 =	smulhi.u32 @!p0 $0x1A36E2F, s15;
	_ =	sdelay $0x1  }
0x19: {  	s16 =	sshrl.u32 @!p0 s16, $0x6  }
0x1a: {  	s16 =	smul.u32 @!p0 $0x2710, s16  }
0x1b: {  	s31 =	sadd.s32 $0xFFFFFFFF, s12;
	s17 =	smul.u32 @!p0 $0x13880, s11  }
0x1c: {  	s18 =	simm.s32 @!p0 $0x9C400;
	s15 =	ssub.s32 @!p0 s15, s16;
	s16 =	sxor.u32 @!p0 $0xFFFFFFFF, s12  }
0x1d: {  	s17 =	sadd.s32 @!p0 s3, s17;
	s15 =	sshll.u32 @!p0 s15, $0x3;
	s16 =	sshll.u32 @!p0 s16, $0xE  }
0x1e: {  	s15 =	sadd.s32 @!p0 s15, s17;
	s16 =	sand.u32 @!p0 $0x4000, s16;
	s17 =	simm.s32 @!p0 $0x400  }
0x1f: {  	[tilespmem:s16], [sflag:$0x1] =	stream.strided.gather @!p0 [hbm4b:s15+s17], $0x4000, s18, s17, $0x38;
	[tilespmem:$0x10000] =	vst v63  }
0x20: {  	p0 =	sge.u32 s31, s5  }
.Ltmp2:
0x21: {  	_ = 	snop;
	(pc) =	sbr.rel @p0 .LBB1_7-.Ltmp2, $1  }
0x22: {  	_ =	sdelay $0x3  }
0x23: {  	s15 =	sshrl.u32 s9, $0x1;
	_ =	swait.ge [sflag:s4], $0x4000  }
0x24: {  	s18 =	sshll.u32 s12, $0xE;
	s16 =	sand.u32 $0x4000, s15;
	[sflag:s4] =	ssyncset.done $0x0  }
0x25: {  	s31 =	sand.u32 $0x4000, s18;
	s18 =	simm.s32 $0x0;
	s15 =	sor.u32 $0x400, s16  }
0x26: {  	s17 =	sor.u32 $0x8400, s16;
	[sflag:s4] =	ssyncadd.s32 $0xFFFFC000;
	s16 =	sor.u32 $0x8000, s31  }
.LBB1_3:
0x27: {  	v0 =	vld [tilespmem:s15+$0xFFFFFC70]  }
0x28: {  	v1 =	vld [tilespmem:s15+$0x70]  }
0x29: {  	v2 =	vld [tilespmem:s15+$0x0]  }
0x2a: {  	v3 =	vld [tilespmem:s15+$0xFFFFFC10]  }
0x2b: {  	v4 =	vld [tilespmem:s15+$0x10]  }
0x2c: {  	v5 =	vld [tilespmem:s15+$0xFFFFFC20]  }
0x2d: {  	v7 =	vld [tilespmem:s15+$0x20]  }
0x2e: {  	v11 =	vld [tilespmem:s15+$0x30];
	v6 =	vunpack.i.l.s16.s32 v0;
	v8 =	vunpack.i.u.s16.s32 v0;
	v9 =	vunpack.i.u.s16.s32 v1  }
0x2f: {  	v10 =	vunpack.i.l.s16.s32 v1;
	v0 =	vunpack.i.u.s16.s32 v2;
	v1 =	vunpack.i.l.s16.s32 v2;
	v2 =	vld [tilespmem:s15+$0xFFFFFC30]  }
0x30: {  	v8 =	vpack.i.b32.b16 v9, v8;
	v9 =	vunpack.i.u.s16.s32 v3;
	v3 =	vunpack.i.l.s16.s32 v3  }
0x31: {  	v12 =	vld [tilespmem:s15+$0xFFFFFC40];
	v6 =	vpack.i.b32.b16 v10, v6;
	[tilespmem:s17+$0x70] =	vst v8;
	v8 =	vunpack.i.u.s16.s32 v4;
	v4 =	vunpack.i.l.s16.s32 v4  }
0x32: {  	v13 =	vld [tilespmem:s15+$0x40];
	v10 =	vunpack.i.u.s16.s32 v5;
	v5 =	vunpack.i.l.s16.s32 v5;
	[tilespmem:s17+$0xFFFFFC70] =	vst v6;
	v3 =	vpack.i.b32.b16 v4, v3  }
0x33: {  	v6 =	vunpack.i.l.s16.s32 v7;
	v4 =	vld [tilespmem:s15+$0xFFFFFC50];
	[tilespmem:s17+$0xFFFFFC10] =	vst v3;
	v3 =	vpack.i.b32.b16 v8, v9;
	v8 =	vunpack.i.u.s16.s32 v7  }
0x34: {  	v7 =	vunpack.i.l.s16.s32 v11;
	[tilespmem:s17+$0x10] =	vst v3;
	v3 =	vpack.i.b32.b16 v6, v5;
	v9 =	vunpack.i.u.s16.s32 v2;
	v6 =	vld [tilespmem:s15+$0x50]  }
0x35: {  	v5 =	vunpack.i.l.s16.s32 v2;
	v2 =	vld [tilespmem:s15+$0xFFFFFC60];
	[tilespmem:s17+$0xFFFFFC20] =	vst v3;
	v3 =	vpack.i.b32.b16 v8, v10;
	v10 =	vunpack.i.u.s16.s32 v11  }
0x36: {  	s21 =	simm.s32 $0x0;
	v11 =	vpack.i.b32.b16 v7, v5;
	v7 =	vunpack.i.u.s16.s32 v12;
	v8 =	vunpack.i.l.s16.s32 v12;
	[tilespmem:s17+$0x20] =	vst v3;
	v3 =	vld [tilespmem:s15+$0x60]  }
0x37: {  	s22 =	sadd.s32 $0x80, s15;
	s20 =	smov.u32 s17;
	s19 =	smov.u32 s17;
	v5 =	vld [tilespmem:s15+$0xFFFFFC00];
	[tilespmem:s17+$0xFFFFFC30] =	vst v11;
	v10 =	vpack.i.b32.b16 v10, v9;
	v9 =	vunpack.i.u.s16.s32 v13;
	v11 =	vunpack.i.l.s16.s32 v13  }
.LBB1_4:
0x38: {  	v12 =	vld [tilespmem:s22+$0xFFFFFC70];
	[tilespmem:s20+$0x30] =	vst v10;
	v8 =	vpack.i.b32.b16 v11, v8;
	v10 =	vunpack.i.u.s16.s32 v4;
	v4 =	vunpack.i.l.s16.s32 v4  }
0x39: {  	s21 =	sadd.s32 $0x2, s21;
	v7 =	vpack.i.b32.b16 v9, v7;
	v11 =	vld [tilespmem:s22+$0x70];
	[tilespmem:s20+$0xFFFFFC40] =	vst v8;
	v8 =	vunpack.i.u.s16.s32 v6;
	v6 =	vunpack.i.l.s16.s32 v6  }
0x3a: {  	p0 =	slt.u32 s21, $0xE;
	v9 =	vld [tilespmem:s22+$0x0];
	[tilespmem:s20+$0x40] =	vst v7;
	v4 =	vpack.i.b32.b16 v6, v4;
	v6 =	vunpack.i.u.s16.s32 v2;
	v2 =	vunpack.i.l.s16.s32 v2  }
0x3b: {  	v7 =	vld [tilespmem:s22+$0xFFFFFC10];
	[tilespmem:s20+$0xFFFFFC50] =	vst v4;
	v4 =	vpack.i.b32.b16 v8, v10;
	v8 =	vunpack.i.u.s16.s32 v3;
	v3 =	vunpack.i.l.s16.s32 v3  }
0x3c: {  	v10 =	vld [tilespmem:s22+$0x10];
	v13 =	vunpack.i.u.s16.s32 v5;
	v5 =	vunpack.i.l.s16.s32 v5;
	[tilespmem:s20+$0x50] =	vst v4;
	v2 =	vpack.i.b32.b16 v3, v2  }
0x3d: {  	v3 =	vld [tilespmem:s22+$0xFFFFFC20];
	v4 =	vunpack.i.l.s16.s32 v12;
	v1 =	vpack.i.b32.b16 v1, v5;
	v5 =	vpack.i.b32.b16 v0, v13;
	[tilespmem:s20+$0xFFFFFC60] =	vst v2  }
0x3e: {  	v12 =	vunpack.i.u.s16.s32 v12;
	v2 =	vld [tilespmem:s22+$0x20];
	v13 =	vunpack.i.u.s16.s32 v11;
	v11 =	vunpack.i.l.s16.s32 v11;
	[tilespmem:s20+$0xFFFFFC00] =	vst v1  }
0x3f: {  	s20 =	sadd.s32 $0x800, s20;
	v0 =	vunpack.i.u.s16.s32 v9;
	v1 =	vunpack.i.l.s16.s32 v9;
	v9 =	vld [tilespmem:s22+$0xFFFFFC30];
	v12 =	vpack.i.b32.b16 v13, v12;
	[tilespmem:s19+$0x0] =	vst v5  }
0x40: {  	v6 =	vpack.i.b32.b16 v8, v6;
	v5 =	vunpack.i.u.s16.s32 v7;
	v7 =	vunpack.i.l.s16.s32 v7;
	v13 =	vld [tilespmem:s22+$0x30];
	[tilespmem:s20+$0x70] =	vst v12  }
0x41: {  	v4 =	vpack.i.b32.b16 v11, v4;
	v8 =	vunpack.i.u.s16.s32 v10;
	v10 =	vunpack.i.l.s16.s32 v10;
	v12 =	vld [tilespmem:s22+$0xFFFFFC40];
	[tilespmem:s19+$0x60] =	vst v6;
	s19 =	smov.u32 s20  }
0x42: {  	v6 =	vpack.i.b32.b16 v10, v7;
	v7 =	vunpack.i.u.s16.s32 v3;
	v3 =	vunpack.i.l.s16.s32 v3;
	v11 =	vld [tilespmem:s22+$0x40];
	[tilespmem:s20+$0xFFFFFC70] =	vst v4  }
.Ltmp3:
0x43: {  	v5 =	vpack.i.b32.b16 v8, v5;
	[tilespmem:s20+$0xFFFFFC10] =	vst v6;
	v8 =	vunpack.i.u.s16.s32 v2;
	v2 =	vunpack.i.l.s16.s32 v2;
	v4 =	vld [tilespmem:s22+$0xFFFFFC50];
	(pc) =	sbr.rel @p0 .LBB1_4-.Ltmp3, $4  }
0x44: {  	[tilespmem:s20+$0x10] =	vst v5;
	v2 =	vpack.i.b32.b16 v2, v3;
	v10 =	vunpack.i.u.s16.s32 v9;
	v3 =	vunpack.i.l.s16.s32 v9;
	v6 =	vld [tilespmem:s22+$0x50]  }
0x45: {  	v5 =	vpack.i.b32.b16 v8, v7;
	[tilespmem:s20+$0xFFFFFC20] =	vst v2;
	v9 =	vunpack.i.u.s16.s32 v13;
	v7 =	vunpack.i.l.s16.s32 v13;
	v2 =	vld [tilespmem:s22+$0xFFFFFC60]  }
0x46: {  	[tilespmem:s20+$0x20] =	vst v5;
	v13 =	vpack.i.b32.b16 v7, v3;
	v7 =	vunpack.i.u.s16.s32 v12;
	v8 =	vunpack.i.l.s16.s32 v12;
	v3 =	vld [tilespmem:s22+$0x60]  }
0x47: {  	v10 =	vpack.i.b32.b16 v9, v10;
	v5 =	vld [tilespmem:s22+$0xFFFFFC00];
	[tilespmem:s20+$0xFFFFFC30] =	vst v13;
	v9 =	vunpack.i.u.s16.s32 v11;
	v11 =	vunpack.i.l.s16.s32 v11;
	s22 =	sadd.s32 $0x80, s22  }
0x48: {  	[tilespmem:s20+$0x30] =	vst v10;
	v8 =	vpack.i.b32.b16 v11, v8  }
0x49: {  	v51 =	vunpack.i.l.s16.s32 v4;
	v7 =	vpack.i.b32.b16 v9, v7;
	[tilespmem:s20+$0xFFFFFC40] =	vst v8;
	v52 =	vunpack.i.l.s16.s32 v6  }
0x4a: {  	v53 =	vunpack.i.u.s16.s32 v4;
	v54 =	vunpack.i.u.s16.s32 v6;
	[tilespmem:s20+$0x40] =	vst v7;
	v55 =	vpack.i.b32.b16 v52, v51  }
0x4b: {  	p0 =	slt.u32 s18, $0xE;
	v56 =	vunpack.i.l.s16.s32 v2;
	v4 =	vpack.i.b32.b16 v54, v53;
	[tilespmem:s20+$0xFFFFFC50] =	vst v55;
	v57 =	vunpack.i.l.s16.s32 v3  }
.Ltmp4:
0x4c: {  	[tilespmem:s20+$0x50] =	vst v4;
	v58 =	vunpack.i.l.s16.s32 v5;
	v59 =	vpack.i.b32.b16 v57, v56;
	(pc) =	sbr.rel @p0 .LBB1_3-.Ltmp4, $4  }
0x4d: {  	v61 =	vunpack.i.u.s16.s32 v2;
	v62 =	vunpack.i.u.s16.s32 v3;
	v1 =	vpack.i.b32.b16 v1, v58;
	[tilespmem:s20+$0xFFFFFC60] =	vst v59  }
0x4e: {  	v60 =	vunpack.i.u.s16.s32 v5;
	v63 =	vpack.i.b32.b16 v62, v61;
	[tilespmem:s20+$0xFFFFFC00] =	vst v1  }
0x4f: {  	s31 =	sadd.s32 $0x2, s18;
	v0 =	vpack.i.b32.b16 v0, v60;
	[tilespmem:s19+$0x60] =	vst v63  }
0x50: {  	s15 =	sadd.s32 $0x800, s15;
	s17 =	sadd.s32 $0x80, s17;
	s18 =	smov.u32 s31;
	[tilespmem:s19+$0x0] =	vst v0  }
.Ltmp5:
0x51: {  	s14 =	sshll.u32 s14, $0x3;
	(pc) =	sbr.rel .LBB1_7-.Ltmp5, $4  }
0x52: {  	s14 =	sand.u32 $0x70, s14  }
0x53: {  	s13 =	sshll.u32 s13, $0x7;
	s14 =	sadd.s32 s6, s14  }
0x54: {  	s13 =	sadd.s32 s13, s14  }
0x55: {  	[hbm4b:s13+s8] =	stream.linear.scatter [tilespmem:s16], [sflag:$0x2], $0x4000, $0x38;
	[tilespmem:$0x10000] =	vst v63  }
.LBB1_8:
0x56: {  	_ =	sfence.sel $0x180000  }
0x57: {  	s2 =	simm.s32 $0x1;
	[bflag:$0x0] =	sbarrier.arrive $0xFFFF  }
0x58: {  	s31 =	simm.s32 $0x2;
	[sflag:s2] =	ssyncpa.u1 $0x1  }
0x59: {  	[sflag:s31] =	ssyncpa.u1 $0x1  }
0x5a: {  	p0 =	sne.s32 s0, $0x0;
	_ =	strace $0x90000047  }
0x5b: {  	s0 =	sadd.s32 @!p0 $0x100000, s1;
	[bflag:$0x2] =	sbarrier.arrive $0xFFFF  }
0x5c: {  	[sflag:s0] =	ssyncadd.tile.s32 @!p0 $0x1;
	_ =	shalt  }
.Lfunc_end1:
_tile_overlayer_lowered:
.L_overlay_start_2:
0x5d: {  	(tag) =	ssettag $0x2  }
0x5e: {  	s0 =	rddreg [dreg:$0x0];
	s2 =	stileid.u32  }
0x5f: {  	s1 =	rddreg [dreg:$0x1];
	p0 =	sne.s32 s2, $0x0  }
0x60: {  	s3 =	rddreg [dreg:$0x2];
	[bflag:$0x3] =	sbarrier.arrive $0xFFFF;
	s2 =	simm.s32 @!p0 $0x1C01  }
0x61: {  	[timem:s3], [sflag:s2] =	dma.local @!p0 [hbm:s0], s1  }
0x62: {  	s0 =	simm.s32 @!p0 $0x1  }
0x63: {  	_ =	swait.ge @!p0 [sflag:s0], s1  }
0x64: {  	s1 =	ssub.s32 @!p0 $0x0, s1;
	[sflag:s0] =	ssyncset.done @!p0 $0x0  }
0x65: {  	[sflag:s0] =	ssyncadd.s32 @!p0 s1  }
0x66: {  	[bflag:$0x3] =	sbarrier.arrive $0xFFFF  }
0x67: {  	_ =	shalt  }

// kernel: sparse-core-data-format-call.cloned.1.call-start
scs
called_computation_lowered:
.L_overlay_start_0:
0x0: {  	s1 =	sld [smem:$0x3FD9]  }
0x1: {  	s2 =	sld [smem:$0x3FFE];
	_ =	sdelay $0x1  }
0x2: {  	s3 =	srdreg.scid  }
0x3: {  	s0 =	sand.u32 $0x1, s3  }
0x4: {  	s17 =	sshll.u32 s0, $0xA;
	s1 =	sadd.s32 s2, s1  }
0x5: {  	s1 =	sadd.s32 s1, s17  }
0x6: {  	[smem:$0x3FB4] =	sst s1  }
0x7: {  	_ = 	snop  }
0x8: {  	(tm) =	ssettm $0x1  }
0x9: {  	s18 =	sld [smem:$0x3FFB];
	_ =	sdelay $0x3  }
0xa: {  	_ =	strace s18  }
0xb: {  	s1 =	sld [smem:$0x3FFC];
	_ =	sdelay $0x3  }
0xc: {  	_ =	strace s1  }
0xd: {  	s1 =	sld [smem:$0x3FFD];
	_ =	sdelay $0x3  }
0xe: {  	_ =	strace s1  }
0xf: {  	_ =	strace $0x8FFFFFFF  }
0x10: {  	s19 =	sld [smem:$0x3FDB];
	_ =	sdelay $0x1  }
0x11: {  	s20 =	simm.s32 $_scs_section_size  }
0x12: {  	s4 =	simm.s32 $_size__tile_overlayer_lowered;
	s5 =	simm.s32 $_tile_overlayer_lowered  }
0x13: {  	s23 =	simm.s32 $0x1BFF;
	s22 =	sshll.u32 s5, $0x1;
	s1 =	sadd.s32 s20, s19  }
0x14: {  	s6 =	simm.s32 $0x0;
	s21 =	sshll.u32 s4, $0x1;
	s4 =	sadd.s32 s22, s1  }
0x15: {  	[timem:s6], [sflag:s23] =	dma.local [hbm:s4], s21  }
0x16: {  	_ =	swait.ge [sflag:s23], s21  }
0x17: {  	s2 =	ssub.s32 $0x0, s21;
	[sflag:s23] =	ssyncset.done $0x0  }
0x18: {  	[sflag:s23] =	ssyncadd.s32 s2;
	_ =	sdelay $0x1  }
0x19: {  	s24 =	simm.s32 $0x1B8B  }
0x1a: {  	_ =	swait.ge [sflag:s24], $0x1  }
0x1b: {  	[sflag:s24] =	ssyncset.done $0x0  }
0x1c: {  	s26 =	simm.s32 $0x1B8E;
	s25 =	sld [smem:$0x3FFE];
	[sflag:s24] =	ssyncadd.s32 $0xFFFFFFFF  }
0x1d: {  	s27 =	simm.s32 $execute0_lowered;
	[smem:$0x3FD2] =	sst s26  }
0x1e: {  	s4 =	sshll.u32 s27, $0x1;
	_ =	strace $0x8000004C;
	[dreg:$0x1] =	wrdreg $0xFFFFFFFF  }
0x1f: {  	s28 =	simm.s32 $_size_execute0_lowered;
	s1 =	sadd.s32 s1, s4;
	[dreg:$0x0] =	wrdreg $0x0  }
0x20: {  	s4 =	sshll.u32 s28, $0x1;
	[dreg:$0x2] =	wrdreg s1  }
0x21: {  	[dreg:$0x3] =	wrdreg s4  }
0x22: {  	[dreg:$0x4] =	wrdreg $0xC0  }
0x23: {  	_ =	task [dreg:s6], $0x5FFFF  }
0x24: {  	[dreg:$0x1] =	wrdreg $0xFFFFFFFF  }
0x25: {  	[dreg:$0x0] =	wrdreg $0x60  }
0x26: {  	[dreg:$0x2] =	wrdreg s25  }
0x27: {  	[dreg:$0x3] =	wrdreg $0x9  }
0x28: {  	_ =	task.clear_ibuf [dreg:s6], $0x4FFFF;
	_ =	strace $0x9000004C  }
0x29: {  	s29 =	simm.s32 $0x9;
	_ =	strace $0x8000004E  }
0x2a: {  	_ =	swait.ge [sflag:s29], $0x1  }
0x2b: {  	[sflag:s29] =	ssyncadd.s32 $0xFFFFFFFF  }
0x2c: {  	_ =	strace $0x9000004E  }
0x2d: {  	_ =	sfence  }
0x2e: {  	s30 =	sld [smem:$0x0];
	_ =	sdelay $0x2  }
0x2f: {  	s31 =	sshll.u32 s3, $0xD;
	s3 =	sshrl.u32 s3, $0x2  }
0x30: {  	s2 =	sand.u32 $0x4000, s31;
	s1 =	sadd.s32 s3, s30  }
0x31: {  	s0 =	sor.u32 s2, s0;
	s1 =	sshll.u32 s1, $0x11  }
0x32: {  	s0 =	sor.u32 s1, s0  }
0x33: {  	s0 =	sadd.s32 $0x8F2B, s0  }
0x34: {  	[sflag:s0] =	ssyncadd.remote.s32 $0x1  }
0x35: {  	_ =	sfence.sel $0xFFFF  }
0x36: {  	[dreg:$0x0] =	wrdreg $0xFFFFFFFF;
	(pc) =	sbr.abs _section_cstart, $3  }
0x37: {  	[dreg:$0x1] =	wrdreg $0xFFFFFFFF  }
0x38: {  	_ =	task.clear_ibuf [dreg:s6], $0x2FFFF;
	_ =	strace $0x9FFFFFFF  }
0x39: {  	(tm) =	ssettm $0x7FFFFFFF  }
tec
execute0_lowered:
.L_overlay_start_1:
0x0: {  	(tag) =	ssettag $0x1  }
0x1: {  	s0 =	srdreg.scid  }
0x2: {  	s1 =	stileid.u32;
	s13 =	rddreg [dreg:$0x0]  }
0x3: {  	_ =	strace $0x8000004D;
	s5 =	simm.s32 $0x1;
	s20 =	simm.s32 $0x2  }
0x4: {  	s29 =	simm.s32 $0x0;
	s15 =	simm.s32 $0x0;
	s27 =	simm.s32 $0x0  }
0x5: {  	s30 =	simm.s32 $0x0;
	s31 =	simm.s32 $0x0;
	s0 =	sshll.u32 s0, $0x4  }
0x6: {  	s3 =	sadd.s32 $0x148000, s13;
	s18 =	sadd.s32 $0x3000, s13;
	[sflag:s5] =	ssyncpa.u1 $0x0  }
0x7: {  	s19 =	sadd.s32 $0x15C500, s13;
	s4 =	sadd.s32 $0x170A00, s13;
	[dreg:$0x2] =	wrdreg s3  }
0x8: {  	s21 =	sadd.s32 $0x184F00, s13;
	s22 =	sadd.s32 $0x199400, s13;
	[dreg:$0x3] =	wrdreg s18  }
0x9: {  	s23 =	sadd.s32 $0x1AD900, s13;
	s24 =	sadd.s32 $0x1C1E00, s13;
	[dreg:$0x4] =	wrdreg s19  }
0xa: {  	s25 =	sadd.s32 $0x1D6300, s13;
	s26 =	sadd.s32 $0x1EA800, s13;
	[dreg:$0x5] =	wrdreg s4  }
0xb: {  	s14 =	sadd.s32 $0x1FED00, s13;
	s0 =	sand.u32 $0x10, s0;
	[dreg:$0x6] =	wrdreg s21  }
0xc: {  	s16 =	sadd.s32 $0x213200, s13;
	[dreg:$0x7] =	wrdreg s22;
	s0 =	sor.u32 s1, s0  }
0xd: {  	s17 =	sadd.s32 $0x227700, s13;
	[dreg:$0x8] =	wrdreg s23;
	s2 =	sshll.u32 s0, $0x2  }
0xe: {  	[sflag:s20] =	ssyncpa.u1 $0x0;
	[dreg:$0x9] =	wrdreg s24;
	s0 =	ssub.s32 $0x64, s2  }
0xf: {  	[dreg:$0xa] =	wrdreg s25;
	s18 =	sadd.s32 $0x23BC00, s13;
	p0 =	sgt.s32 s0, $0x0  }
.Ltmp0:
0x10: {  	s19 =	sadd.s32 $0x250100, s13;
	s0 =	simm.s32 @!p0 $0x0;
	(pc) =	sbr.rel .LBB1_1-.Ltmp0, $4  }
0x11: {  	[dreg:$0xb] =	wrdreg s26;
	s20 =	sadd.s32 $0x264600, s13;
	s0 =	sand.u32 $0x7C, s0  }
0x12: {  	s21 =	sadd.s32 $0x278B00, s13;
	s23 =	simm.s32 $0x100;
	p0 =	seq.s32 s0, $0x0  }
0x13: {  	s24 =	simm.s32 $0x1A00;
	s1 =	simm.s32 $0x0;
	s15 =	simm.s32 @!p0 $0x19  }
0x14: {  	s28 =	smov.u32 s2;
	s0 =	simm.s32 $0x0;
	s22 =	sadd.s32 $0x1, s15  }
.LBB1_11:
0x15: {  	s3 =	sadd.s32 $0x4, s27  }
0x16: {  	s0 =	sadd.s32 $0x80, s28;
	s4 =	smov.u32 s28;
	p1 =	sgt.s32 s3, $0x63  }
0x17: {  	s4 =	smov.u32 @p1 s0  }
0x18: {  	s7 =	smov.u32 s30;
	s0 =	sadd.s32 $0x10, s30;
	p2 =	sgt.s32 s4, $0x63  }
0x19: {  	s7 =	smov.u32 @p2 s0  }
0x1a: {  	s3 =	simm.s32 @p1 $0x0;
	p1 =	sgt.s32 s7, $0xF  }
0x1b: {  	p0 =	slt.u32 s31, $0x2;
	s7 =	simm.s32 @p1 $0x0;
	p1 =	sne.s32 s31, s22  }
.Ltmp1:
0x1c: {  	s6 =	simm.s32 @!p0 $0x2;
	(pc) =	sbr.rel @!p1 .LBB1_12-.Ltmp1, $4  }
0x1d: {  	s29 =	smov.u32 s27;
	_ =	swait.ge @!p0 [sflag:s6], $0x4000  }
0x1e: {  	s1 =	smov.u32 s28;
	[sflag:s6] =	ssyncset.done @!p0 $0x0;
	s27 =	smov.u32 s3  }
0x1f: {  	s4 =	smov.u32 @p2 s2;
	s0 =	smov.u32 s30;
	[sflag:s6] =	ssyncadd.s32 @!p0 $0xFFFFC000  }
0x20: {  	s28 =	smov.u32 s4;
	s31 =	sadd.s32 $0x1, s31;
	s30 =	smov.u32 s7  }
.LBB1_1:
0x21: {  	p0 =	sge.u32 s31, s15  }
.Ltmp2:
0x22: {  	_ = 	snop;
	(pc) =	sbr.rel @p0 .LBB1_3-.Ltmp2, $1  }
0x23: {  	_ =	sdelay $0x3  }
0x24: {  	s6 =	sand.u32 $0x1FFFFFE, s27  }
0x25: {  	s3 =	smulhi.u32 $0x2762763, s6;
	_ =	sdelay $0x1  }
0x26: {  	s7 =	smul.u32 $0x68, s3  }
0x27: {  	s3 =	smul.u32 $0x14500, s30  }
0x28: {  	s4 =	smul.u32 $0x340, s28;
	s8 =	sxor.u32 $0xFFFFFFFF, s31;
	s11 =	rddreg [dreg:$0x2]  }
0x29: {  	s12 =	rddreg [dreg:$0x4];
	s6 =	ssub.s32 s6, s7;
	s7 =	sadd.s32 s11, s3  }
0x2a: {  	s8 =	sshll.u32 s8, $0xE;
	s6 =	sshll.u32 s6, $0x3;
	s7 =	sadd.s32 s4, s7  }
0x2b: {  	s9 =	sadd.s32 s6, s7;
	s7 =	sand.u32 $0x4000, s8;
	s8 =	sadd.s32 s3, s12  }
0x2c: {  	[tilespmem:s7], [sflag:$0x1] =	stream.strided.gather [hbm4b:s9+s23], $0x400, s24, s23, $0x38;
	[tilespmem:$0x10000] =	vst v63  }
0x2d: {  	s8 =	sadd.s32 s4, s8  }
0x2e: {  	s25 =	rddreg [dreg:$0x5];
	s13 =	sor.u32 $0x400, s7;
	s8 =	sadd.s32 s6, s8  }
0x2f: {  	[tilespmem:s13], [sflag:$0x1] =	stream.strided.gather [hbm4b:s8+s23], $0x400, s24, s23, $0x38;
	[tilespmem:$0x10000] =	vst v63  }
0x30: {  	s8 =	sadd.s32 s3, s25  }
0x31: {  	s8 =	sadd.s32 s4, s8  }
0x32: {  	s10 =	rddreg [dreg:$0x6];
	s26 =	sor.u32 $0x800, s7;
	s8 =	sadd.s32 s6, s8  }
0x33: {  	[tilespmem:s26], [sflag:$0x1] =	stream.strided.gather [hbm4b:s8+s23], $0x400, s24, s23, $0x38;
	[tilespmem:$0x10000] =	vst v63  }
0x34: {  	s8 =	sadd.s32 s3, s10  }
0x35: {  	s8 =	sadd.s32 s4, s8  }
0x36: {  	s12 =	rddreg [dreg:$0x7];
	s11 =	sor.u32 $0xC00, s7;
	s8 =	sadd.s32 s6, s8  }
0x37: {  	[tilespmem:s11], [sflag:$0x1] =	stream.strided.gather [hbm4b:s8+s23], $0x400, s24, s23, $0x38;
	[tilespmem:$0x10000] =	vst v63  }
0x38: {  	s8 =	sadd.s32 s3, s12  }
0x39: {  	s8 =	sadd.s32 s4, s8  }
0x3a: {  	s13 =	sor.u32 $0x1000, s7;
	s25 =	rddreg [dreg:$0x8];
	s8 =	sadd.s32 s6, s8  }
0x3b: {  	[tilespmem:s13], [sflag:$0x1] =	stream.strided.gather [hbm4b:s8+s23], $0x400, s24, s23, $0x38;
	[tilespmem:$0x10000] =	vst v63  }
0x3c: {  	s8 =	sadd.s32 s3, s25  }
0x3d: {  	s8 =	sadd.s32 s4, s8  }
0x3e: {  	s26 =	sor.u32 $0x1400, s7;
	s10 =	rddreg [dreg:$0x9];
	s8 =	sadd.s32 s6, s8  }
0x3f: {  	[tilespmem:s26], [sflag:$0x1] =	stream.strided.gather [hbm4b:s8+s23], $0x400, s24, s23, $0x38;
	[tilespmem:$0x10000] =	vst v63  }
0x40: {  	s8 =	sadd.s32 s3, s10  }
0x41: {  	s8 =	sadd.s32 s4, s8  }
0x42: {  	s11 =	sor.u32 $0x1800, s7;
	s12 =	rddreg [dreg:$0xa];
	s8 =	sadd.s32 s6, s8  }
0x43: {  	[tilespmem:s11], [sflag:$0x1] =	stream.strided.gather [hbm4b:s8+s23], $0x400, s24, s23, $0x38;
	[tilespmem:$0x10000] =	vst v63  }
0x44: {  	s8 =	sadd.s32 s3, s12  }
0x45: {  	s8 =	sadd.s32 s4, s8  }
0x46: {  	s13 =	sor.u32 $0x1C00, s7;
	s25 =	rddreg [dreg:$0xb];
	s8 =	sadd.s32 s6, s8  }
0x47: {  	[tilespmem:s13], [sflag:$0x1] =	stream.strided.gather [hbm4b:s8+s23], $0x400, s24, s23, $0x38;
	[tilespmem:$0x10000] =	vst v63  }
0x48: {  	s8 =	sadd.s32 s3, s25  }
0x49: {  	s8 =	sadd.s32 s4, s8  }
0x4a: {  	s26 =	sor.u32 $0x2000, s7;
	s10 =	sadd.s32 s3, s14;
	s8 =	sadd.s32 s6, s8  }
0x4b: {  	[tilespmem:s26], [sflag:$0x1] =	stream.strided.gather [hbm4b:s8+s23], $0x400, s24, s23, $0x38;
	[tilespmem:$0x10000] =	vst v63  }
0x4c: {  	s8 =	sadd.s32 s4, s10  }
0x4d: {  	s11 =	sor.u32 $0x2400, s7;
	s12 =	sadd.s32 s3, s16;
	s8 =	sadd.s32 s6, s8  }
0x4e: {  	[tilespmem:s11], [sflag:$0x1] =	stream.strided.gather [hbm4b:s8+s23], $0x400, s24, s23, $0x38;
	[tilespmem:$0x10000] =	vst v63  }
0x4f: {  	s8 =	sadd.s32 s4, s12  }
0x50: {  	s13 =	sor.u32 $0x2800, s7;
	s25 =	sadd.s32 s3, s17;
	s8 =	sadd.s32 s6, s8  }
0x51: {  	[tilespmem:s13], [sflag:$0x1] =	stream.strided.gather [hbm4b:s8+s23], $0x400, s24, s23, $0x38;
	[tilespmem:$0x10000] =	vst v63  }
0x52: {  	s8 =	sadd.s32 s4, s25  }
0x53: {  	s9 =	sadd.s32 s3, s18;
	s26 =	sor.u32 $0x2C00, s7;
	s8 =	sadd.s32 s6, s8  }
0x54: {  	[tilespmem:s26], [sflag:$0x1] =	stream.strided.gather [hbm4b:s8+s23], $0x400, s24, s23, $0x38;
	[tilespmem:$0x10000] =	vst v63  }
0x55: {  	s8 =	sadd.s32 s4, s9  }
0x56: {  	s10 =	sor.u32 $0x3000, s7;
	s11 =	sadd.s32 s3, s19;
	s8 =	sadd.s32 s6, s8  }
0x57: {  	[tilespmem:s10], [sflag:$0x1] =	stream.strided.gather [hbm4b:s8+s23], $0x400, s24, s23, $0x38;
	[tilespmem:$0x10000] =	vst v63  }
0x58: {  	s8 =	sadd.s32 s4, s11  }
0x59: {  	s12 =	sor.u32 $0x3400, s7;
	s13 =	sadd.s32 s3, s20;
	s8 =	sadd.s32 s6, s8  }
0x5a: {  	[tilespmem:s12], [sflag:$0x1] =	stream.strided.gather [hbm4b:s8+s23], $0x400, s24, s23, $0x38;
	[tilespmem:$0x10000] =	vst v63  }
0x5b: {  	s3 =	sadd.s32 s3, s21;
	s8 =	sadd.s32 s4, s13  }
0x5c: {  	s25 =	sor.u32 $0x3800, s7;
	s3 =	sadd.s32 s4, s3;
	s8 =	sadd.s32 s6, s8  }
0x5d: {  	[tilespmem:s25], [sflag:$0x1] =	stream.strided.gather [hbm4b:s8+s23], $0x400, s24, s23, $0x38;
	[tilespmem:$0x10000] =	vst v63  }
0x5e: {  	s3 =	sadd.s32 s6, s3;
	s26 =	sor.u32 $0x3C00, s7  }
0x5f: {  	[tilespmem:s26], [sflag:$0x1] =	stream.strided.gather [hbm4b:s3+s23], $0x400, s24, s23, $0x38;
	[tilespmem:$0x10000] =	vst v63  }
.LBB1_3:
0x60: {  	s3 =	sadd.s32 $0xFFFFFFFF, s31  }
0x61: {  	p0 =	sge.u32 s3, s15  }
.Ltmp3:
0x62: {  	_ = 	snop;
	(pc) =	sbr.rel @p0 .LBB1_11-.Ltmp3, $1  }
0x63: {  	_ =	sdelay $0x3  }
0x64: {  	_ =	swait.ge [sflag:s5], $0x4000;
	s3 =	sshll.u32 s31, $0xE  }
0x65: {  	[sflag:s5] =	ssyncset.done $0x0;
	s26 =	sand.u32 $0x4000, s3  }
0x66: {  	s3 =	simm.s32 $0x0;
	[sflag:s5] =	ssyncadd.s32 $0xFFFFC000;
	s25 =	sor.u32 $0x8000, s26  }
.LBB1_5:
0x67: {  	s4 =	sshll.u32 s3, $0x7  }
0x68: {  	s7 =	sshll.u32 s3, $0xC;
	s6 =	sor.u32 $0x80, s4  }
0x69: {  	s7 =	sshra.s32 s7, $0x2;
	s8 =	sshrl.u32 s6, $0x1  }
0x6a: {  	s6 =	sadd.s32 s7, s26;
	s7 =	simm.s32 $0x0;
	v0 =	vmov s8  }
.LBB1_6:
0x6b: {  	s8 =	sshll.u32 s7, $0xA  }
0x6c: {  	s8 =	sshra.s32 s8, $0x2  }
0x6d: {  	s10 =	sadd.s32 s8, s6  }
0x6e: {  	s11 =	sadd.s32 $0x400, s10;
	v1 =	vmov s10  }
0x6f: {  	s13 =	sshll.u32 s7, $0xE;
	v2 =	vmov s11  }
0x70: {  	s8 =	sshra.s32 s13, $0x2  }
0x71: {  	s9 =	simm.s32 $0x0;
	p0 =	por $0x1, $0x1;
	s8 =	sadd.s32 s8, s25  }
.LBB1_7:
0x72: {  	s11 =	sshll.u32 s9, $0x6  }
0x73: {  	v3 =	vld.idx.msk [tilespmem:v1+s11+$0x0 ss:$0x1], $0xffff  }
0x74: {  	v4 =	vld.idx.msk [tilespmem:v2+s11+$0x0 ss:$0x1], $0xffff  }
0x75: {  	v5 =	vld.idx.msk [tilespmem:v1+s11+$0x10 ss:$0x1], $0xffff  }
0x76: {  	v6 =	vld.idx.msk [tilespmem:v2+s11+$0x10 ss:$0x1], $0xffff  }
0x77: {  	s13 =	sshll.u32 s9, $0xA;
	v7 =	vld.idx.msk [tilespmem:v1+s11+$0x20 ss:$0x1], $0xffff  }
0x78: {  	s9 =	sand.u32 $0x3FFFFC00, s13;
	v8 =	vld.idx.msk [tilespmem:v2+s11+$0x20 ss:$0x1], $0xffff  }
0x79: {  	s12 =	sshrl.u32 s4, $0x1;
	v11 =	vld.idx.msk [tilespmem:v1+s11+$0x30 ss:$0x1], $0xffff;
	s9 =	sadd.s32 s9, s8;
	v9 =	vunpack.i.l.s16.s32 v3;
	v10 =	vunpack.i.l.s16.s32 v4  }
0x7a: {  	v36 =	vld.idx.msk [tilespmem:v2+s11+$0x30 ss:$0x1], $0xffff;
	s11 =	sor.u32 $0x40, s11;
	s13 =	sadd.s32 s12, s9;
	s10 =	sadd.s32 $0x400, s9;
	v3 =	vunpack.i.u.s16.s32 v3;
	v4 =	vunpack.i.u.s16.s32 v4;
	v9 =	vpack.i.b32.b16 v10, v9  }
0x7b: {  	v12 =	vld.idx.msk [tilespmem:v1+s11+$0x0 ss:$0x1], $0xffff;
	s12 =	sadd.s32 s12, s10;
	v37 =	vunpack.i.l.s16.s32 v5;
	v38 =	vunpack.i.l.s16.s32 v6;
	v3 =	vpack.i.b32.b16 v4, v3;
	[tilespmem:s13+$0x0] =	vst v9  }
0x7c: {  	v40 =	vld.idx.msk [tilespmem:v2+s11+$0x0 ss:$0x1], $0xffff;
	v39 =	vunpack.i.u.s16.s32 v6;
	v4 =	vpack.i.b32.b16 v38, v37;
	[tilespmem:s12+$0x0] =	vst v3;
	v3 =	vunpack.i.u.s16.s32 v5  }
0x7d: {  	v43 =	vld.idx.msk [tilespmem:v1+s11+$0x10 ss:$0x1], $0xffff;
	v41 =	vunpack.i.l.s16.s32 v7;
	v42 =	vunpack.i.l.s16.s32 v8;
	[tilespmem:s13+$0x10] =	vst v4;
	v3 =	vpack.i.b32.b16 v39, v3  }
0x7e: {  	v45 =	vld.idx.msk [tilespmem:v2+s11+$0x10 ss:$0x1], $0xffff;
	v44 =	vunpack.i.u.s16.s32 v8;
	v4 =	vpack.i.b32.b16 v42, v41;
	[tilespmem:s12+$0x10] =	vst v3;
	v3 =	vunpack.i.u.s16.s32 v7  }
0x7f: {  	v48 =	vld.idx.msk [tilespmem:v1+s11+$0x20 ss:$0x1], $0xffff;
	v46 =	vunpack.i.l.s16.s32 v11;
	v47 =	vunpack.i.l.s16.s32 v36;
	[tilespmem:s13+$0x20] =	vst v4;
	v3 =	vpack.i.b32.b16 v44, v3  }
0x80: {  	v49 =	vld.idx.msk [tilespmem:v2+s11+$0x20 ss:$0x1], $0xffff;
	v10 =	vunpack.i.u.s16.s32 v36;
	v4 =	vpack.i.b32.b16 v47, v46;
	[tilespmem:s12+$0x20] =	vst v3;
	v3 =	vunpack.i.u.s16.s32 v11  }
0x81: {  	v52 =	vld.idx.msk [tilespmem:v1+s11+$0x30 ss:$0x1], $0xffff;
	v50 =	vunpack.i.l.s16.s32 v12;
	v51 =	vunpack.i.l.s16.s32 v40;
	[tilespmem:s13+$0x30] =	vst v4;
	v3 =	vpack.i.b32.b16 v10, v3  }
0x82: {  	v53 =	vld.idx.msk [tilespmem:v2+s11+$0x30 ss:$0x1], $0xffff;
	v6 =	vunpack.i.u.s16.s32 v40;
	v4 =	vpack.i.b32.b16 v51, v50;
	[tilespmem:s12+$0x30] =	vst v3;
	v3 =	vunpack.i.u.s16.s32 v12  }
0x83: {  	v54 =	vunpack.i.l.s16.s32 v43;
	v55 =	vunpack.i.l.s16.s32 v45;
	[tilespmem:v0+s9+$0x0 ss:$0x1] =	vst.idx.msk $0xffff, v4;
	v3 =	vpack.i.b32.b16 v6, v3  }
0x84: {  	v56 =	vunpack.i.u.s16.s32 v43;
	v5 =	vunpack.i.u.s16.s32 v45;
	[tilespmem:v0+s10+$0x0 ss:$0x1] =	vst.idx.msk $0xffff, v3;
	v3 =	vpack.i.b32.b16 v55, v54  }
0x85: {  	p1 =	por p0, p0;
	v57 =	vunpack.i.l.s16.s32 v48;
	v58 =	vunpack.i.l.s16.s32 v49;
	[tilespmem:v0+s9+$0x10 ss:$0x1] =	vst.idx.msk $0xffff, v3;
	v3 =	vpack.i.b32.b16 v5, v56  }
.Ltmp4:
0x86: {  	v59 =	vunpack.i.u.s16.s32 v48;
	v60 =	vunpack.i.u.s16.s32 v49;
	[tilespmem:v0+s10+$0x10 ss:$0x1] =	vst.idx.msk $0xffff, v3;
	v3 =	vpack.i.b32.b16 v58, v57;
	(pc) =	sbr.rel @p1 .LBB1_7-.Ltmp4, $4  }
0x87: {  	v61 =	vunpack.i.l.s16.s32 v52;
	v62 =	vunpack.i.l.s16.s32 v53;
	[tilespmem:v0+s9+$0x20 ss:$0x1] =	vst.idx.msk $0xffff, v3;
	v3 =	vpack.i.b32.b16 v60, v59  }
0x88: {  	v63 =	vunpack.i.u.s16.s32 v53;
	v4 =	vpack.i.b32.b16 v62, v61;
	[tilespmem:v0+s10+$0x20 ss:$0x1] =	vst.idx.msk $0xffff, v3;
	v3 =	vunpack.i.u.s16.s32 v52  }
0x89: {  	[tilespmem:v0+s9+$0x30 ss:$0x1] =	vst.idx.msk $0xffff, v4;
	v3 =	vpack.i.b32.b16 v63, v3  }
0x8a: {  	p0 =	por $0x0, $0x0;
	s9 =	simm.s32 $0x2;
	[tilespmem:v0+s10+$0x30 ss:$0x1] =	vst.idx.msk $0xffff, v3  }
0x8b: {  	s7 =	sadd.s32 $0x1, s7  }
0x8c: {  	p0 =	sne.s32 s7, $0x4  }
.Ltmp5:
0x8d: {  	_ = 	snop;
	(pc) =	sbr.rel @p0 .LBB1_6-.Ltmp5, $1  }
0x8e: {  	_ =	sdelay $0x3  }
0x8f: {  	p0 =	slt.u32 s3, $0xE  }
.Ltmp6:
0x90: {  	_ = 	snop;
	(pc) =	sbr.rel @p0 .LBB1_5-.Ltmp6, $3  }
0x91: {  	_ =	sdelay $0x1  }
0x92: {  	s4 =	sadd.s32 $0x2, s3  }
0x93: {  	s3 =	smov.u32 s4  }
0x94: {  	s1 =	smul.u32 $0x3200, s1  }
.Ltmp7:
0x95: {  	s0 =	sshll.u32 s0, $0x3;
	s3 =	rddreg [dreg:$0x3];
	(pc) =	sbr.rel .LBB1_11-.Ltmp7, $4  }
0x96: {  	s0 =	sand.u32 $0x70, s0;
	s1 =	sadd.s32 s3, s1  }
0x97: {  	s13 =	sshll.u32 s29, $0x7;
	s0 =	sadd.s32 s0, s1  }
0x98: {  	s26 =	simm.s32 $0x1000;
	s29 =	simm.s32 $0x19000;
	s0 =	sadd.s32 s13, s0  }
0x99: {  	[hbm4b:s0+s26] =	stream.strided.scatter [tilespmem:s25], [sflag:$0x2], $0x4000, s29, s26, $0x38;
	[tilespmem:$0x10000] =	vst v63  }
.LBB1_12:
0x9a: {  	_ =	sfence.sel $0x180000  }
0x9b: {  	s0 =	simm.s32 $0x1;
	[bflag:$0x0] =	sbarrier.arrive $0xFFFF  }
0x9c: {  	s30 =	simm.s32 $0x2;
	[sflag:s0] =	ssyncpa.u1 $0x1  }
0x9d: {  	[sflag:s30] =	ssyncpa.u1 $0x1  }
0x9e: {  	_ =	strace $0x9000004D  }
0x9f: {  	s31 =	stileid.u32;
	[bflag:$0x2] =	sbarrier.arrive $0xFFFF  }
0xa0: {  	p0 =	sne.s32 s31, $0x0;
	s0 =	rddreg [dreg:$0x1]  }
0xa1: {  	s0 =	sadd.s32 @!p0 $0x100000, s0  }
0xa2: {  	[sflag:s0] =	ssyncadd.tile.s32 @!p0 $0x1;
	_ =	shalt  }
.Lfunc_end1:
_tile_overlayer_lowered:
.L_overlay_start_2:
0xa3: {  	(tag) =	ssettag $0x2  }
0xa4: {  	s0 =	rddreg [dreg:$0x0];
	s2 =	stileid.u32  }
0xa5: {  	s1 =	rddreg [dreg:$0x1];
	p0 =	sne.s32 s2, $0x0  }
0xa6: {  	s3 =	rddreg [dreg:$0x2];
	[bflag:$0x3] =	sbarrier.arrive $0xFFFF;
	s2 =	simm.s32 @!p0 $0x1C01  }
0xa7: {  	[timem:s3], [sflag:s2] =	dma.local @!p0 [hbm:s0], s1  }
0xa8: {  	s0 =	simm.s32 @!p0 $0x1  }
0xa9: {  	_ =	swait.ge @!p0 [sflag:s0], s1  }
0xaa: {  	s1 =	ssub.s32 @!p0 $0x0, s1;
	[sflag:s0] =	ssyncset.done @!p0 $0x0  }
0xab: {  	[sflag:s0] =	ssyncadd.s32 @!p0 s1  }
0xac: {  	[bflag:$0x3] =	sbarrier.arrive $0xFFFF  }
0xad: {  	_ =	shalt  }

</sc_bundles>
